<compile_context>
chip_gen: v7x
topology: tpu7x:2x2x1
jax: 0.10.2.dev20260603
libtpu: 0.0.44.dev20260713+nightly
codegen_flags: <defaults>
</compile_context>

<pallas_src>
import jax
import jax.numpy as jnp
from jax import lax
from jax.experimental import pallas as pl
from jax.experimental.pallas import tpu as pltpu
from jax.experimental.pallas import tpu_sc as plsc

NUM_ROWS = 16384
H = 1024
E = 16
LANES = 16
NW = 32
TOK_PER_W = NUM_ROWS // NW
CHUNK = 16
N_CHUNKS = TOK_PER_W // CHUNK
HV = H // LANES


def _body(ex_hbm, idx0_hbm, idx1_hbm, x1_hbm, x2_hbm, bias_hbm, s0_hbm,
          s1_hbm, e0_hbm, e1_hbm,
          out_hbm,
          bias_v, idx0_v, idx1_v, s0_v, s1_v, e0_v, e1_v,
          g0_v, g1_v, x1_v, x2_v, out_v,
          sem_in, sem_meta):
  wid = lax.axis_index("s") * 2 + lax.axis_index("c")
  tok_base = wid * TOK_PER_W
  tok_slice = pl.ds(tok_base, TOK_PER_W)

  cps = [
      pltpu.async_copy(idx0_hbm.at[tok_slice], idx0_v, sem_meta),
      pltpu.async_copy(idx1_hbm.at[tok_slice], idx1_v, sem_meta),
      pltpu.async_copy(s0_hbm.at[tok_slice], s0_v, sem_meta),
      pltpu.async_copy(s1_hbm.at[tok_slice], s1_v, sem_meta),
      pltpu.async_copy(e0_hbm.at[tok_slice], e0_v, sem_meta),
      pltpu.async_copy(e1_hbm.at[tok_slice], e1_v, sem_meta),
      pltpu.async_copy(bias_hbm, bias_v, sem_meta),
  ]
  for cp in cps:
    cp.wait()

  def chunk_body(c, _):
    base = pl.multiple_of(c * CHUNK, CHUNK)
    d0 = pltpu.async_copy(ex_hbm.at[idx0_v.at[pl.ds(base, CHUNK)]], g0_v,
                          sem_in)
    d1 = pltpu.async_copy(ex_hbm.at[idx1_v.at[pl.ds(base, CHUNK)]], g1_v,
                          sem_in)
    d2 = pltpu.async_copy(x1_hbm.at[pl.ds(tok_base + base, CHUNK)], x1_v,
                          sem_in)
    d3 = pltpu.async_copy(x2_hbm.at[pl.ds(tok_base + base, CHUNK)], x2_v,
                          sem_in)
    d0.wait()
    d1.wait()
    d2.wait()
    d3.wait()

    s0vec = s0_v[pl.ds(base, LANES)]
    s1vec = s1_v[pl.ds(base, LANES)]
    e0vec = e0_v[pl.ds(base, LANES)]
    e1vec = e1_v[pl.ds(base, LANES)]
    s0s = [s0vec[t] for t in range(CHUNK)]
    s1s = [s1vec[t] for t in range(CHUNK)]
    e0s = [e0vec[t] for t in range(CHUNK)]
    e1s = [e1vec[t] for t in range(CHUNK)]

    def h_body(h, _):
      hv = pl.ds(pl.multiple_of(h * LANES, LANES), LANES)
      for t in range(CHUNK):
        r = (x1_v[t, hv] + x2_v[t, hv]
             + s0s[t] * (g0_v[t, hv] + bias_v[e0s[t], hv])
             + s1s[t] * (g1_v[t, hv] + bias_v[e1s[t], hv]))
        out_v[t, hv] = r
      return 0

    lax.fori_loop(0, HV, h_body, 0)
    pltpu.sync_copy(out_v, out_hbm.at[pl.ds(tok_base + base, CHUNK)])
    return 0

  lax.fori_loop(0, N_CHUNKS, chunk_body, 0)


@jax.jit
def _moe_finalize(expanded_x, expanded_row_idx, x1, x2, bias, scales,
                  expert_idx):
  mesh = plsc.VectorSubcoreMesh(core_axis_name="c", subcore_axis_name="s")
  run = pl.kernel(
      _body,
      out_type=jax.ShapeDtypeStruct((NUM_ROWS, H), jnp.float32),
      mesh=mesh,
      scratch_types=[
          pltpu.VMEM((E, H), jnp.float32),
          pltpu.VMEM((TOK_PER_W,), jnp.int32),
          pltpu.VMEM((TOK_PER_W,), jnp.int32),
          pltpu.VMEM((TOK_PER_W,), jnp.float32),
          pltpu.VMEM((TOK_PER_W,), jnp.float32),
          pltpu.VMEM((TOK_PER_W,), jnp.int32),
          pltpu.VMEM((TOK_PER_W,), jnp.int32),
          pltpu.VMEM((CHUNK, H), jnp.float32),
          pltpu.VMEM((CHUNK, H), jnp.float32),
          pltpu.VMEM((CHUNK, H), jnp.float32),
          pltpu.VMEM((CHUNK, H), jnp.float32),
          pltpu.VMEM((CHUNK, H), jnp.float32),
          pltpu.SemaphoreType.DMA,
          pltpu.SemaphoreType.DMA,
      ],
  )
  idx0 = expanded_row_idx[:NUM_ROWS]
  idx1 = expanded_row_idx[NUM_ROWS:]
  s0 = scales[:, 0]
  s1 = scales[:, 1]
  e0 = expert_idx[:, 0]
  e1 = expert_idx[:, 1]
  return run(expanded_x, idx0, idx1, x1, x2, bias, s0, s1, e0, e1)


def kernel(expanded_x, expanded_row_idx, x1, x2, bias, scales, expert_idx,
           drop_pad_mode=0):
  del drop_pad_mode
  return _moe_finalize(expanded_x, expanded_row_idx, x1, x2, bias, scales,
                       expert_idx)

# --- scband reference (transcript-rebuilt; emitter-appended) ---
"""Pipeline reference for scband-model-21260088115735 (READ-ONLY COPY).

The authoritative reference and input builder live on the scoring server;
editing this copy changes nothing except your own understanding.
"""

import jax, jax.numpy as jnp
import numpy as np


def setup_inputs(seed: int = 0) -> dict:
    key = jax.random.key(seed)
    ks = jax.random.split(key, 7)
    num_rows, K, H, E = 16384, 2, 1024, 16
    expanded_x = jax.random.normal(ks[0], (num_rows * K, H), dtype=jnp.float32)
    expanded_row_idx = jax.random.randint(ks[1], (num_rows * K,), 0, num_rows * K, dtype=jnp.int32)
    x1 = jax.random.normal(ks[2], (num_rows, H), dtype=jnp.float32)
    x2 = jax.random.normal(ks[3], (num_rows, H), dtype=jnp.float32)
    bias = jax.random.normal(ks[4], (E, H), dtype=jnp.float32)
    scales = jax.random.uniform(ks[5], (num_rows, K), dtype=jnp.float32)
    expert_idx = jax.random.randint(ks[6], (num_rows, K), 0, E, dtype=jnp.int32)
    return {"expanded_x": expanded_x, "expanded_row_idx": expanded_row_idx, "x1": x1,
            "x2": x2, "bias": bias, "scales": scales, "expert_idx": expert_idx,
            "drop_pad_mode": 0}


def reference(expanded_x, expanded_row_idx, x1, x2, bias, scales, expert_idx, drop_pad_mode=0):
    # Faithful translation of npu_moe_finalize_routing (drop_pad_mode=0):
    # out[i, :] = x1[i, :] + x2[i, :]
    #           + sum_k scales[i, k] * (expanded_x[expanded_row_idx[i + k*num_rows], :]
    #                                   + bias[expert_idx[i, k], :])
    num_rows, K = scales.shape
    # expanded_row_idx is laid out as idx[k * num_rows + i]
    idx = expanded_row_idx.reshape(K, num_rows)                 # [K, num_rows]
    gathered = jnp.take(expanded_x, idx, axis=0)                # [K, num_rows, H]
    b = jnp.take(bias, expert_idx, axis=0)                      # [num_rows, K, H]
    b = jnp.transpose(b, (1, 0, 2))                             # [K, num_rows, H]
    s = jnp.transpose(scales)[:, :, None]                       # [K, num_rows, 1]
    out = x1 + x2 + jnp.sum(s * (gathered + b), axis=0)        # [num_rows, H]
    return out

if __name__ == "__main__":
    import jax
    _d = setup_inputs()
    print(jax.jit(kernel)(*tuple(_d.values())))

</pallas_src>

<mosaic_0001>
#map = affine_map<(d0, d1) -> (0, 0)>
#map1 = affine_map<(d0, d1) -> (0)>
module attributes {stable_mosaic.version = 14 : i64} {
  func.func @_body(%arg0: i32, %arg1: i32, %arg2: memref<32768x1024xf32, #tpu.memory_space<hbm>>, %arg3: memref<16384xi32, #tpu.memory_space<hbm>>, %arg4: memref<16384xi32, #tpu.memory_space<hbm>>, %arg5: memref<16384x1024xf32, #tpu.memory_space<hbm>>, %arg6: memref<16384x1024xf32, #tpu.memory_space<hbm>>, %arg7: memref<16x1024xf32, #tpu.memory_space<hbm>>, %arg8: memref<16384xf32, #tpu.memory_space<hbm>>, %arg9: memref<16384xf32, #tpu.memory_space<hbm>>, %arg10: memref<16384xi32, #tpu.memory_space<hbm>>, %arg11: memref<16384xi32, #tpu.memory_space<hbm>>, %arg12: memref<16384x1024xf32, #tpu.memory_space<hbm>>, %arg13: memref<16x1024xf32, #tpu.memory_space<vmem>>, %arg14: memref<512xi32, #tpu.memory_space<vmem>>, %arg15: memref<512xi32, #tpu.memory_space<vmem>>, %arg16: memref<512xf32, #tpu.memory_space<vmem>>, %arg17: memref<512xf32, #tpu.memory_space<vmem>>, %arg18: memref<512xi32, #tpu.memory_space<vmem>>, %arg19: memref<512xi32, #tpu.memory_space<vmem>>, %arg20: memref<16x1024xf32, #tpu.memory_space<vmem>>, %arg21: memref<16x1024xf32, #tpu.memory_space<vmem>>, %arg22: memref<16x1024xf32, #tpu.memory_space<vmem>>, %arg23: memref<16x1024xf32, #tpu.memory_space<vmem>>, %arg24: memref<16x1024xf32, #tpu.memory_space<vmem>>, %arg25: memref<!tpu.dma_semaphore, #tpu.memory_space<semaphore_mem>>, %arg26: memref<!tpu.dma_semaphore, #tpu.memory_space<semaphore_mem>>) attributes {dimension_semantics = [#tpu.dimension_semantics<core_parallel>, #tpu.dimension_semantics<subcore_parallel>], iteration_bounds = array<i64: 2, 16>, scalar_prefetch = 0 : i64, scratch_operands = 14 : i64, tpu.core_type = #tpu.core_type<sc_vector_subcore>, window_params = [{transform_indices = #map}, {transform_indices = #map1}, {transform_indices = #map1}, {transform_indices = #map}, {transform_indices = #map}, {transform_indices = #map}, {transform_indices = #map1}, {transform_indices = #map1}, {transform_indices = #map1}, {transform_indices = #map1}, {transform_indices = #map}]} {
    %mul3A = arith.constant 2 : i32
    %mul3A_0 = arith.muli %arg1, %mul3A : i32
    %add3A = arith.addi %mul3A_0, %arg0 : i32
    %mul3A_1 = arith.constant 512 : i32
    %mul3A_2 = arith.muli %add3A, %mul3A_1 : i32
    %dma_start3A = tpu.memref_slice %arg3[%mul3A_2] : memref<16384xi32, #tpu.memory_space<hbm>> -> memref<512xi32, #tpu.memory_space<hbm>>
    %dma_start3A_3 = tpu.memref_slice %arg3[%mul3A_2] : memref<16384xi32, #tpu.memory_space<hbm>> -> memref<512xi32, #tpu.memory_space<hbm>>
    tpu.enqueue_dma source(%dma_start3A_3 : memref<512xi32, #tpu.memory_space<hbm>>) target(%arg14 : memref<512xi32, #tpu.memory_space<vmem>>) target_semaphore(%arg26 : memref<!tpu.dma_semaphore, #tpu.memory_space<semaphore_mem>>)
    %dma_start3A_4 = tpu.memref_slice %arg4[%mul3A_2] : memref<16384xi32, #tpu.memory_space<hbm>> -> memref<512xi32, #tpu.memory_space<hbm>>
    %dma_start3A_5 = tpu.memref_slice %arg4[%mul3A_2] : memref<16384xi32, #tpu.memory_space<hbm>> -> memref<512xi32, #tpu.memory_space<hbm>>
    tpu.enqueue_dma source(%dma_start3A_5 : memref<512xi32, #tpu.memory_space<hbm>>) target(%arg15 : memref<512xi32, #tpu.memory_space<vmem>>) target_semaphore(%arg26 : memref<!tpu.dma_semaphore, #tpu.memory_space<semaphore_mem>>)
    %dma_start3A_6 = tpu.memref_slice %arg8[%mul3A_2] : memref<16384xf32, #tpu.memory_space<hbm>> -> memref<512xf32, #tpu.memory_space<hbm>>
    %dma_start3A_7 = tpu.memref_slice %arg8[%mul3A_2] : memref<16384xf32, #tpu.memory_space<hbm>> -> memref<512xf32, #tpu.memory_space<hbm>>
    tpu.enqueue_dma source(%dma_start3A_7 : memref<512xf32, #tpu.memory_space<hbm>>) target(%arg16 : memref<512xf32, #tpu.memory_space<vmem>>) target_semaphore(%arg26 : memref<!tpu.dma_semaphore, #tpu.memory_space<semaphore_mem>>)
    %dma_start3A_8 = tpu.memref_slice %arg9[%mul3A_2] : memref<16384xf32, #tpu.memory_space<hbm>> -> memref<512xf32, #tpu.memory_space<hbm>>
    %dma_start3A_9 = tpu.memref_slice %arg9[%mul3A_2] : memref<16384xf32, #tpu.memory_space<hbm>> -> memref<512xf32, #tpu.memory_space<hbm>>
    tpu.enqueue_dma source(%dma_start3A_9 : memref<512xf32, #tpu.memory_space<hbm>>) target(%arg17 : memref<512xf32, #tpu.memory_space<vmem>>) target_semaphore(%arg26 : memref<!tpu.dma_semaphore, #tpu.memory_space<semaphore_mem>>)
    %dma_start3A_10 = tpu.memref_slice %arg10[%mul3A_2] : memref<16384xi32, #tpu.memory_space<hbm>> -> memref<512xi32, #tpu.memory_space<hbm>>
    %dma_start3A_11 = tpu.memref_slice %arg10[%mul3A_2] : memref<16384xi32, #tpu.memory_space<hbm>> -> memref<512xi32, #tpu.memory_space<hbm>>
    tpu.enqueue_dma source(%dma_start3A_11 : memref<512xi32, #tpu.memory_space<hbm>>) target(%arg18 : memref<512xi32, #tpu.memory_space<vmem>>) target_semaphore(%arg26 : memref<!tpu.dma_semaphore, #tpu.memory_space<semaphore_mem>>)
    %dma_start3A_12 = tpu.memref_slice %arg11[%mul3A_2] : memref<16384xi32, #tpu.memory_space<hbm>> -> memref<512xi32, #tpu.memory_space<hbm>>
    %dma_start3A_13 = tpu.memref_slice %arg11[%mul3A_2] : memref<16384xi32, #tpu.memory_space<hbm>> -> memref<512xi32, #tpu.memory_space<hbm>>
    tpu.enqueue_dma source(%dma_start3A_13 : memref<512xi32, #tpu.memory_space<hbm>>) target(%arg19 : memref<512xi32, #tpu.memory_space<vmem>>) target_semaphore(%arg26 : memref<!tpu.dma_semaphore, #tpu.memory_space<semaphore_mem>>)
    tpu.enqueue_dma source(%arg7 : memref<16x1024xf32, #tpu.memory_space<hbm>>) target(%arg13 : memref<16x1024xf32, #tpu.memory_space<vmem>>) target_semaphore(%arg26 : memref<!tpu.dma_semaphore, #tpu.memory_space<semaphore_mem>>)
    %dma_wait3A = tpu.memref_slice %arg3[%mul3A_2] : memref<16384xi32, #tpu.memory_space<hbm>> -> memref<512xi32, #tpu.memory_space<hbm>>
    %dma_wait3A_14 = tpu.memref_slice %arg3[%mul3A_2] : memref<16384xi32, #tpu.memory_space<hbm>> -> memref<512xi32, #tpu.memory_space<hbm>>
    tpu.wait_dma2 semaphore(%arg26 : memref<!tpu.dma_semaphore, #tpu.memory_space<semaphore_mem>>) src(%dma_wait3A_14 : memref<512xi32, #tpu.memory_space<hbm>>) dst(%arg14 : memref<512xi32, #tpu.memory_space<vmem>>)
    %dma_wait3A_15 = tpu.memref_slice %arg4[%mul3A_2] : memref<16384xi32, #tpu.memory_space<hbm>> -> memref<512xi32, #tpu.memory_space<hbm>>
    %dma_wait3A_16 = tpu.memref_slice %arg4[%mul3A_2] : memref<16384xi32, #tpu.memory_space<hbm>> -> memref<512xi32, #tpu.memory_space<hbm>>
    tpu.wait_dma2 semaphore(%arg26 : memref<!tpu.dma_semaphore, #tpu.memory_space<semaphore_mem>>) src(%dma_wait3A_16 : memref<512xi32, #tpu.memory_space<hbm>>) dst(%arg15 : memref<512xi32, #tpu.memory_space<vmem>>)
    %dma_wait3A_17 = tpu.memref_slice %arg8[%mul3A_2] : memref<16384xf32, #tpu.memory_space<hbm>> -> memref<512xf32, #tpu.memory_space<hbm>>
    %dma_wait3A_18 = tpu.memref_slice %arg8[%mul3A_2] : memref<16384xf32, #tpu.memory_space<hbm>> -> memref<512xf32, #tpu.memory_space<hbm>>
    tpu.wait_dma2 semaphore(%arg26 : memref<!tpu.dma_semaphore, #tpu.memory_space<semaphore_mem>>) src(%dma_wait3A_18 : memref<512xf32, #tpu.memory_space<hbm>>) dst(%arg16 : memref<512xf32, #tpu.memory_space<vmem>>)
    %dma_wait3A_19 = tpu.memref_slice %arg9[%mul3A_2] : memref<16384xf32, #tpu.memory_space<hbm>> -> memref<512xf32, #tpu.memory_space<hbm>>
    %dma_wait3A_20 = tpu.memref_slice %arg9[%mul3A_2] : memref<16384xf32, #tpu.memory_space<hbm>> -> memref<512xf32, #tpu.memory_space<hbm>>
    tpu.wait_dma2 semaphore(%arg26 : memref<!tpu.dma_semaphore, #tpu.memory_space<semaphore_mem>>) src(%dma_wait3A_20 : memref<512xf32, #tpu.memory_space<hbm>>) dst(%arg17 : memref<512xf32, #tpu.memory_space<vmem>>)
    %dma_wait3A_21 = tpu.memref_slice %arg10[%mul3A_2] : memref<16384xi32, #tpu.memory_space<hbm>> -> memref<512xi32, #tpu.memory_space<hbm>>
    %dma_wait3A_22 = tpu.memref_slice %arg10[%mul3A_2] : memref<16384xi32, #tpu.memory_space<hbm>> -> memref<512xi32, #tpu.memory_space<hbm>>
    tpu.wait_dma2 semaphore(%arg26 : memref<!tpu.dma_semaphore, #tpu.memory_space<semaphore_mem>>) src(%dma_wait3A_22 : memref<512xi32, #tpu.memory_space<hbm>>) dst(%arg18 : memref<512xi32, #tpu.memory_space<vmem>>)
    %dma_wait3A_23 = tpu.memref_slice %arg11[%mul3A_2] : memref<16384xi32, #tpu.memory_space<hbm>> -> memref<512xi32, #tpu.memory_space<hbm>>
    %dma_wait3A_24 = tpu.memref_slice %arg11[%mul3A_2] : memref<16384xi32, #tpu.memory_space<hbm>> -> memref<512xi32, #tpu.memory_space<hbm>>
    tpu.wait_dma2 semaphore(%arg26 : memref<!tpu.dma_semaphore, #tpu.memory_space<semaphore_mem>>) src(%dma_wait3A_24 : memref<512xi32, #tpu.memory_space<hbm>>) dst(%arg19 : memref<512xi32, #tpu.memory_space<vmem>>)
    tpu.wait_dma2 semaphore(%arg26 : memref<!tpu.dma_semaphore, #tpu.memory_space<semaphore_mem>>) src(%arg7 : memref<16x1024xf32, #tpu.memory_space<hbm>>) dst(%arg13 : memref<16x1024xf32, #tpu.memory_space<vmem>>)
    %scan3A = arith.constant 0 : i32
    %scan3A_25 = arith.constant 0 : i32
    %scan3A_26 = arith.constant 32 : i32
    %scan3A_27 = arith.addi %scan3A_25, %scan3A_26 : i32
    %scan3A_28 = arith.constant 1 : i32
    %scan3A_29 = scf.for %scan3A_31 = %scan3A_25 to %scan3A_27 step %scan3A_28 iter_args(%scan3A_32 = %scan3A) -> (i32)  : i32 {
      %mul3A_33 = arith.constant 16 : i32
      %mul3A_34 = arith.muli %scan3A_31, %mul3A_33 : i32
      %multiple_of3A = tpu.assume_multiple %mul3A_34, 16 : i32
      %dma_start3A_35 = tpu.memref_slice %arg14[%multiple_of3A] : memref<512xi32, #tpu.memory_space<vmem>> -> memref<16xi32, #tpu.memory_space<vmem>>
      %dma_start3A_36 = arith.constant 0 : i32
      %dma_start3A_37 = arith.constant 0 : i32
      %dma_start3A_38 = tpu.memref_slice %arg2[%dma_start3A_36, %dma_start3A_37] : memref<32768x1024xf32, #tpu.memory_space<hbm>> -> memref<32768x1024xf32, #tpu.memory_space<hbm>>
      tpu.enqueue_indirect_dma source(%dma_start3A_38 : memref<32768x1024xf32, #tpu.memory_space<hbm>>) target(%arg20 : memref<16x1024xf32, #tpu.memory_space<vmem>>) offsets(%dma_start3A_35 : memref<16xi32, #tpu.memory_space<vmem>>) semaphore(%arg25 : memref<!tpu.dma_semaphore, #tpu.memory_space<semaphore_mem>>)
      %dma_start3A_39 = tpu.memref_slice %arg15[%multiple_of3A] : memref<512xi32, #tpu.memory_space<vmem>> -> memref<16xi32, #tpu.memory_space<vmem>>
      %dma_start3A_40 = arith.constant 0 : i32
      %dma_start3A_41 = arith.constant 0 : i32
      %dma_start3A_42 = tpu.memref_slice %arg2[%dma_start3A_40, %dma_start3A_41] : memref<32768x1024xf32, #tpu.memory_space<hbm>> -> memref<32768x1024xf32, #tpu.memory_space<hbm>>
      tpu.enqueue_indirect_dma source(%dma_start3A_42 : memref<32768x1024xf32, #tpu.memory_space<hbm>>) target(%arg21 : memref<16x1024xf32, #tpu.memory_space<vmem>>) offsets(%dma_start3A_39 : memref<16xi32, #tpu.memory_space<vmem>>) semaphore(%arg25 : memref<!tpu.dma_semaphore, #tpu.memory_space<semaphore_mem>>)
      %add3A_43 = arith.addi %mul3A_2, %multiple_of3A : i32
      %dma_start3A_44 = arith.constant 0 : i32
      %dma_start3A_45 = tpu.memref_slice %arg5[%add3A_43, %dma_start3A_44] : memref<16384x1024xf32, #tpu.memory_space<hbm>> -> memref<16x1024xf32, #tpu.memory_space<hbm>>
      %dma_start3A_46 = arith.constant 0 : i32
      %dma_start3A_47 = tpu.memref_slice %arg5[%add3A_43, %dma_start3A_46] : memref<16384x1024xf32, #tpu.memory_space<hbm>> -> memref<16x1024xf32, #tpu.memory_space<hbm>>
      tpu.enqueue_dma source(%dma_start3A_47 : memref<16x1024xf32, #tpu.memory_space<hbm>>) target(%arg22 : memref<16x1024xf32, #tpu.memory_space<vmem>>) target_semaphore(%arg25 : memref<!tpu.dma_semaphore, #tpu.memory_space<semaphore_mem>>)
      %add3A_48 = arith.addi %mul3A_2, %multiple_of3A : i32
      %dma_start3A_49 = arith.constant 0 : i32
      %dma_start3A_50 = tpu.memref_slice %arg6[%add3A_48, %dma_start3A_49] : memref<16384x1024xf32, #tpu.memory_space<hbm>> -> memref<16x1024xf32, #tpu.memory_space<hbm>>
      %dma_start3A_51 = arith.constant 0 : i32
      %dma_start3A_52 = tpu.memref_slice %arg6[%add3A_48, %dma_start3A_51] : memref<16384x1024xf32, #tpu.memory_space<hbm>> -> memref<16x1024xf32, #tpu.memory_space<hbm>>
      tpu.enqueue_dma source(%dma_start3A_52 : memref<16x1024xf32, #tpu.memory_space<hbm>>) target(%arg23 : memref<16x1024xf32, #tpu.memory_space<vmem>>) target_semaphore(%arg25 : memref<!tpu.dma_semaphore, #tpu.memory_space<semaphore_mem>>)
      %dma_wait3A_53 = tpu.memref_slice %arg14[%multiple_of3A] : memref<512xi32, #tpu.memory_space<vmem>> -> memref<16xi32, #tpu.memory_space<vmem>>
      %dma_wait3A_54 = arith.constant 0 : i32
      %dma_wait3A_55 = arith.constant 0 : i32
      %dma_wait3A_56 = tpu.memref_slice %arg2[%dma_wait3A_54, %dma_wait3A_55] : memref<32768x1024xf32, #tpu.memory_space<hbm>> -> memref<32768x1024xf32, #tpu.memory_space<hbm>>
      tpu.wait_indirect_dma semaphore(%arg25 : memref<!tpu.dma_semaphore, #tpu.memory_space<semaphore_mem>>) src(%dma_wait3A_56 : memref<32768x1024xf32, #tpu.memory_space<hbm>>) dst(%arg20 : memref<16x1024xf32, #tpu.memory_space<vmem>>)
      %dma_wait3A_57 = tpu.memref_slice %arg15[%multiple_of3A] : memref<512xi32, #tpu.memory_space<vmem>> -> memref<16xi32, #tpu.memory_space<vmem>>
      %dma_wait3A_58 = arith.constant 0 : i32
      %dma_wait3A_59 = arith.constant 0 : i32
      %dma_wait3A_60 = tpu.memref_slice %arg2[%dma_wait3A_58, %dma_wait3A_59] : memref<32768x1024xf32, #tpu.memory_space<hbm>> -> memref<32768x1024xf32, #tpu.memory_space<hbm>>
      tpu.wait_indirect_dma semaphore(%arg25 : memref<!tpu.dma_semaphore, #tpu.memory_space<semaphore_mem>>) src(%dma_wait3A_60 : memref<32768x1024xf32, #tpu.memory_space<hbm>>) dst(%arg21 : memref<16x1024xf32, #tpu.memory_space<vmem>>)
      %dma_wait3A_61 = arith.constant 0 : i32
      %dma_wait3A_62 = tpu.memref_slice %arg5[%add3A_43, %dma_wait3A_61] : memref<16384x1024xf32, #tpu.memory_space<hbm>> -> memref<16x1024xf32, #tpu.memory_space<hbm>>
      %dma_wait3A_63 = arith.constant 0 : i32
      %dma_wait3A_64 = tpu.memref_slice %arg5[%add3A_43, %dma_wait3A_63] : memref<16384x1024xf32, #tpu.memory_space<hbm>> -> memref<16x1024xf32, #tpu.memory_space<hbm>>
      tpu.wait_dma2 semaphore(%arg25 : memref<!tpu.dma_semaphore, #tpu.memory_space<semaphore_mem>>) src(%dma_wait3A_64 : memref<16x1024xf32, #tpu.memory_space<hbm>>) dst(%arg22 : memref<16x1024xf32, #tpu.memory_space<vmem>>)
      %dma_wait3A_65 = arith.constant 0 : i32
      %dma_wait3A_66 = tpu.memref_slice %arg6[%add3A_48, %dma_wait3A_65] : memref<16384x1024xf32, #tpu.memory_space<hbm>> -> memref<16x1024xf32, #tpu.memory_space<hbm>>
      %dma_wait3A_67 = arith.constant 0 : i32
      %dma_wait3A_68 = tpu.memref_slice %arg6[%add3A_48, %dma_wait3A_67] : memref<16384x1024xf32, #tpu.memory_space<hbm>> -> memref<16x1024xf32, #tpu.memory_space<hbm>>
      tpu.wait_dma2 semaphore(%arg25 : memref<!tpu.dma_semaphore, #tpu.memory_space<semaphore_mem>>) src(%dma_wait3A_68 : memref<16x1024xf32, #tpu.memory_space<hbm>>) dst(%arg23 : memref<16x1024xf32, #tpu.memory_space<vmem>>)
      %get3A = arith.index_cast %multiple_of3A : i32 to index
      %get3A_69 = tpu.vector_load %arg16[%get3A] {strides = array<i32>} : memref<512xf32, #tpu.memory_space<vmem>>, vector<16xf32>,
      %get3A_70 = vector.shape_cast %get3A_69 : vector<16xf32> to vector<16xf32>
      %get3A_71 = arith.index_cast %multiple_of3A : i32 to index
      %get3A_72 = tpu.vector_load %arg17[%get3A_71] {strides = array<i32>} : memref<512xf32, #tpu.memory_space<vmem>>, vector<16xf32>,
      %get3A_73 = vector.shape_cast %get3A_72 : vector<16xf32> to vector<16xf32>
      %get3A_74 = arith.index_cast %multiple_of3A : i32 to index
      %get3A_75 = tpu.vector_load %arg18[%get3A_74] {strides = array<i32>} : memref<512xi32, #tpu.memory_space<vmem>>, vector<16xi32>,
      %get3A_76 = vector.shape_cast %get3A_75 : vector<16xi32> to vector<16xi32>
      %get3A_77 = arith.index_cast %multiple_of3A : i32 to index
      %get3A_78 = tpu.vector_load %arg19[%get3A_77] {strides = array<i32>} : memref<512xi32, #tpu.memory_space<vmem>>, vector<16xi32>,
      %get3A_79 = vector.shape_cast %get3A_78 : vector<16xi32> to vector<16xi32>
      %slice3A = vector.extract_strided_slice %get3A_70 {offsets = [0], sizes = [1], strides = [1]} : vector<16xf32> to vector<1xf32>
      %squeeze3A = vector.extract %slice3A[0] : f32 from vector<1xf32>
      %slice3A_80 = vector.extract_strided_slice %get3A_70 {offsets = [1], sizes = [1], strides = [1]} : vector<16xf32> to vector<1xf32>
      %squeeze3A_81 = vector.extract %slice3A_80[0] : f32 from vector<1xf32>
      %slice3A_82 = vector.extract_strided_slice %get3A_70 {offsets = [2], sizes = [1], strides = [1]} : vector<16xf32> to vector<1xf32>
      %squeeze3A_83 = vector.extract %slice3A_82[0] : f32 from vector<1xf32>
      %slice3A_84 = vector.extract_strided_slice %get3A_70 {offsets = [3], sizes = [1], strides = [1]} : vector<16xf32> to vector<1xf32>
      %squeeze3A_85 = vector.extract %slice3A_84[0] : f32 from vector<1xf32>
      %slice3A_86 = vector.extract_strided_slice %get3A_70 {offsets = [4], sizes = [1], strides = [1]} : vector<16xf32> to vector<1xf32>
      %squeeze3A_87 = vector.extract %slice3A_86[0] : f32 from vector<1xf32>
      %slice3A_88 = vector.extract_strided_slice %get3A_70 {offsets = [5], sizes = [1], strides = [1]} : vector<16xf32> to vector<1xf32>
      %squeeze3A_89 = vector.extract %slice3A_88[0] : f32 from vector<1xf32>
      %slice3A_90 = vector.extract_strided_slice %get3A_70 {offsets = [6], sizes = [1], strides = [1]} : vector<16xf32> to vector<1xf32>
      %squeeze3A_91 = vector.extract %slice3A_90[0] : f32 from vector<1xf32>
      %slice3A_92 = vector.extract_strided_slice %get3A_70 {offsets = [7], sizes = [1], strides = [1]} : vector<16xf32> to vector<1xf32>
      %squeeze3A_93 = vector.extract %slice3A_92[0] : f32 from vector<1xf32>
      %slice3A_94 = vector.extract_strided_slice %get3A_70 {offsets = [8], sizes = [1], strides = [1]} : vector<16xf32> to vector<1xf32>
      %squeeze3A_95 = vector.extract %slice3A_94[0] : f32 from vector<1xf32>
      %slice3A_96 = vector.extract_strided_slice %get3A_70 {offsets = [9], sizes = [1], strides = [1]} : vector<16xf32> to vector<1xf32>
      %squeeze3A_97 = vector.extract %slice3A_96[0] : f32 from vector<1xf32>
      %slice3A_98 = vector.extract_strided_slice %get3A_70 {offsets = [10], sizes = [1], strides = [1]} : vector<16xf32> to vector<1xf32>
      %squeeze3A_99 = vector.extract %slice3A_98[0] : f32 from vector<1xf32>
      %slice3A_100 = vector.extract_strided_slice %get3A_70 {offsets = [11], sizes = [1], strides = [1]} : vector<16xf32> to vector<1xf32>
      %squeeze3A_101 = vector.extract %slice3A_100[0] : f32 from vector<1xf32>
      %slice3A_102 = vector.extract_strided_slice %get3A_70 {offsets = [12], sizes = [1], strides = [1]} : vector<16xf32> to vector<1xf32>
      %squeeze3A_103 = vector.extract %slice3A_102[0] : f32 from vector<1xf32>
      %slice3A_104 = vector.extract_strided_slice %get3A_70 {offsets = [13], sizes = [1], strides = [1]} : vector<16xf32> to vector<1xf32>
      %squeeze3A_105 = vector.extract %slice3A_104[0] : f32 from vector<1xf32>
      %slice3A_106 = vector.extract_strided_slice %get3A_70 {offsets = [14], sizes = [1], strides = [1]} : vector<16xf32> to vector<1xf32>
      %squeeze3A_107 = vector.extract %slice3A_106[0] : f32 from vector<1xf32>
      %slice3A_108 = vector.extract_strided_slice %get3A_70 {offsets = [15], sizes = [1], strides = [1]} : vector<16xf32> to vector<1xf32>
      %squeeze3A_109 = vector.extract %slice3A_108[0] : f32 from vector<1xf32>
      %slice3A_110 = vector.extract_strided_slice %get3A_73 {offsets = [0], sizes = [1], strides = [1]} : vector<16xf32> to vector<1xf32>
      %squeeze3A_111 = vector.extract %slice3A_110[0] : f32 from vector<1xf32>
      %slice3A_112 = vector.extract_strided_slice %get3A_73 {offsets = [1], sizes = [1], strides = [1]} : vector<16xf32> to vector<1xf32>
      %squeeze3A_113 = vector.extract %slice3A_112[0] : f32 from vector<1xf32>
      %slice3A_114 = vector.extract_strided_slice %get3A_73 {offsets = [2], sizes = [1], strides = [1]} : vector<16xf32> to vector<1xf32>
      %squeeze3A_115 = vector.extract %slice3A_114[0] : f32 from vector<1xf32>
      %slice3A_116 = vector.extract_strided_slice %get3A_73 {offsets = [3], sizes = [1], strides = [1]} : vector<16xf32> to vector<1xf32>
      %squeeze3A_117 = vector.extract %slice3A_116[0] : f32 from vector<1xf32>
      %slice3A_118 = vector.extract_strided_slice %get3A_73 {offsets = [4], sizes = [1], strides = [1]} : vector<16xf32> to vector<1xf32>
      %squeeze3A_119 = vector.extract %slice3A_118[0] : f32 from vector<1xf32>
      %slice3A_120 = vector.extract_strided_slice %get3A_73 {offsets = [5], sizes = [1], strides = [1]} : vector<16xf32> to vector<1xf32>
      %squeeze3A_121 = vector.extract %slice3A_120[0] : f32 from vector<1xf32>
      %slice3A_122 = vector.extract_strided_slice %get3A_73 {offsets = [6], sizes = [1], strides = [1]} : vector<16xf32> to vector<1xf32>
      %squeeze3A_123 = vector.extract %slice3A_122[0] : f32 from vector<1xf32>
      %slice3A_124 = vector.extract_strided_slice %get3A_73 {offsets = [7], sizes = [1], strides = [1]} : vector<16xf32> to vector<1xf32>
      %squeeze3A_125 = vector.extract %slice3A_124[0] : f32 from vector<1xf32>
      %slice3A_126 = vector.extract_strided_slice %get3A_73 {offsets = [8], sizes = [1], strides = [1]} : vector<16xf32> to vector<1xf32>
      %squeeze3A_127 = vector.extract %slice3A_126[0] : f32 from vector<1xf32>
      %slice3A_128 = vector.extract_strided_slice %get3A_73 {offsets = [9], sizes = [1], strides = [1]} : vector<16xf32> to vector<1xf32>
      %squeeze3A_129 = vector.extract %slice3A_128[0] : f32 from vector<1xf32>
      %slice3A_130 = vector.extract_strided_slice %get3A_73 {offsets = [10], sizes = [1], strides = [1]} : vector<16xf32> to vector<1xf32>
      %squeeze3A_131 = vector.extract %slice3A_130[0] : f32 from vector<1xf32>
      %slice3A_132 = vector.extract_strided_slice %get3A_73 {offsets = [11], sizes = [1], strides = [1]} : vector<16xf32> to vector<1xf32>
      %squeeze3A_133 = vector.extract %slice3A_132[0] : f32 from vector<1xf32>
      %slice3A_134 = vector.extract_strided_slice %get3A_73 {offsets = [12], sizes = [1], strides = [1]} : vector<16xf32> to vector<1xf32>
      %squeeze3A_135 = vector.extract %slice3A_134[0] : f32 from vector<1xf32>
      %slice3A_136 = vector.extract_strided_slice %get3A_73 {offsets = [13], sizes = [1], strides = [1]} : vector<16xf32> to vector<1xf32>
      %squeeze3A_137 = vector.extract %slice3A_136[0] : f32 from vector<1xf32>
      %slice3A_138 = vector.extract_strided_slice %get3A_73 {offsets = [14], sizes = [1], strides = [1]} : vector<16xf32> to vector<1xf32>
      %squeeze3A_139 = vector.extract %slice3A_138[0] : f32 from vector<1xf32>
      %slice3A_140 = vector.extract_strided_slice %get3A_73 {offsets = [15], sizes = [1], strides = [1]} : vector<16xf32> to vector<1xf32>
      %squeeze3A_141 = vector.extract %slice3A_140[0] : f32 from vector<1xf32>
      %slice3A_142 = vector.extract_strided_slice %get3A_76 {offsets = [0], sizes = [1], strides = [1]} : vector<16xi32> to vector<1xi32>
      %squeeze3A_143 = vector.extract %slice3A_142[0] : i32 from vector<1xi32>
      %slice3A_144 = vector.extract_strided_slice %get3A_76 {offsets = [1], sizes = [1], strides = [1]} : vector<16xi32> to vector<1xi32>
      %squeeze3A_145 = vector.extract %slice3A_144[0] : i32 from vector<1xi32>
      %slice3A_146 = vector.extract_strided_slice %get3A_76 {offsets = [2], sizes = [1], strides = [1]} : vector<16xi32> to vector<1xi32>
      %squeeze3A_147 = vector.extract %slice3A_146[0] : i32 from vector<1xi32>
      %slice3A_148 = vector.extract_strided_slice %get3A_76 {offsets = [3], sizes = [1], strides = [1]} : vector<16xi32> to vector<1xi32>
      %squeeze3A_149 = vector.extract %slice3A_148[0] : i32 from vector<1xi32>
      %slice3A_150 = vector.extract_strided_slice %get3A_76 {offsets = [4], sizes = [1], strides = [1]} : vector<16xi32> to vector<1xi32>
      %squeeze3A_151 = vector.extract %slice3A_150[0] : i32 from vector<1xi32>
      %slice3A_152 = vector.extract_strided_slice %get3A_76 {offsets = [5], sizes = [1], strides = [1]} : vector<16xi32> to vector<1xi32>
      %squeeze3A_153 = vector.extract %slice3A_152[0] : i32 from vector<1xi32>
      %slice3A_154 = vector.extract_strided_slice %get3A_76 {offsets = [6], sizes = [1], strides = [1]} : vector<16xi32> to vector<1xi32>
      %squeeze3A_155 = vector.extract %slice3A_154[0] : i32 from vector<1xi32>
      %slice3A_156 = vector.extract_strided_slice %get3A_76 {offsets = [7], sizes = [1], strides = [1]} : vector<16xi32> to vector<1xi32>
      %squeeze3A_157 = vector.extract %slice3A_156[0] : i32 from vector<1xi32>
      %slice3A_158 = vector.extract_strided_slice %get3A_76 {offsets = [8], sizes = [1], strides = [1]} : vector<16xi32> to vector<1xi32>
      %squeeze3A_159 = vector.extract %slice3A_158[0] : i32 from vector<1xi32>
      %slice3A_160 = vector.extract_strided_slice %get3A_76 {offsets = [9], sizes = [1], strides = [1]} : vector<16xi32> to vector<1xi32>
      %squeeze3A_161 = vector.extract %slice3A_160[0] : i32 from vector<1xi32>
      %slice3A_162 = vector.extract_strided_slice %get3A_76 {offsets = [10], sizes = [1], strides = [1]} : vector<16xi32> to vector<1xi32>
      %squeeze3A_163 = vector.extract %slice3A_162[0] : i32 from vector<1xi32>
      %slice3A_164 = vector.extract_strided_slice %get3A_76 {offsets = [11], sizes = [1], strides = [1]} : vector<16xi32> to vector<1xi32>
      %squeeze3A_165 = vector.extract %slice3A_164[0] : i32 from vector<1xi32>
      %slice3A_166 = vector.extract_strided_slice %get3A_76 {offsets = [12], sizes = [1], strides = [1]} : vector<16xi32> to vector<1xi32>
      %squeeze3A_167 = vector.extract %slice3A_166[0] : i32 from vector<1xi32>
      %slice3A_168 = vector.extract_strided_slice %get3A_76 {offsets = [13], sizes = [1], strides = [1]} : vector<16xi32> to vector<1xi32>
      %squeeze3A_169 = vector.extract %slice3A_168[0] : i32 from vector<1xi32>
      %slice3A_170 = vector.extract_strided_slice %get3A_76 {offsets = [14], sizes = [1], strides = [1]} : vector<16xi32> to vector<1xi32>
      %squeeze3A_171 = vector.extract %slice3A_170[0] : i32 from vector<1xi32>
      %slice3A_172 = vector.extract_strided_slice %get3A_76 {offsets = [15], sizes = [1], strides = [1]} : vector<16xi32> to vector<1xi32>
      %squeeze3A_173 = vector.extract %slice3A_172[0] : i32 from vector<1xi32>
      %slice3A_174 = vector.extract_strided_slice %get3A_79 {offsets = [0], sizes = [1], strides = [1]} : vector<16xi32> to vector<1xi32>
      %squeeze3A_175 = vector.extract %slice3A_174[0] : i32 from vector<1xi32>
      %slice3A_176 = vector.extract_strided_slice %get3A_79 {offsets = [1], sizes = [1], strides = [1]} : vector<16xi32> to vector<1xi32>
      %squeeze3A_177 = vector.extract %slice3A_176[0] : i32 from vector<1xi32>
      %slice3A_178 = vector.extract_strided_slice %get3A_79 {offsets = [2], sizes = [1], strides = [1]} : vector<16xi32> to vector<1xi32>
      %squeeze3A_179 = vector.extract %slice3A_178[0] : i32 from vector<1xi32>
      %slice3A_180 = vector.extract_strided_slice %get3A_79 {offsets = [3], sizes = [1], strides = [1]} : vector<16xi32> to vector<1xi32>
      %squeeze3A_181 = vector.extract %slice3A_180[0] : i32 from vector<1xi32>
      %slice3A_182 = vector.extract_strided_slice %get3A_79 {offsets = [4], sizes = [1], strides = [1]} : vector<16xi32> to vector<1xi32>
      %squeeze3A_183 = vector.extract %slice3A_182[0] : i32 from vector<1xi32>
      %slice3A_184 = vector.extract_strided_slice %get3A_79 {offsets = [5], sizes = [1], strides = [1]} : vector<16xi32> to vector<1xi32>
      %squeeze3A_185 = vector.extract %slice3A_184[0] : i32 from vector<1xi32>
      %slice3A_186 = vector.extract_strided_slice %get3A_79 {offsets = [6], sizes = [1], strides = [1]} : vector<16xi32> to vector<1xi32>
      %squeeze3A_187 = vector.extract %slice3A_186[0] : i32 from vector<1xi32>
      %slice3A_188 = vector.extract_strided_slice %get3A_79 {offsets = [7], sizes = [1], strides = [1]} : vector<16xi32> to vector<1xi32>
      %squeeze3A_189 = vector.extract %slice3A_188[0] : i32 from vector<1xi32>
      %slice3A_190 = vector.extract_strided_slice %get3A_79 {offsets = [8], sizes = [1], strides = [1]} : vector<16xi32> to vector<1xi32>
      %squeeze3A_191 = vector.extract %slice3A_190[0] : i32 from vector<1xi32>
      %slice3A_192 = vector.extract_strided_slice %get3A_79 {offsets = [9], sizes = [1], strides = [1]} : vector<16xi32> to vector<1xi32>
      %squeeze3A_193 = vector.extract %slice3A_192[0] : i32 from vector<1xi32>
      %slice3A_194 = vector.extract_strided_slice %get3A_79 {offsets = [10], sizes = [1], strides = [1]} : vector<16xi32> to vector<1xi32>
      %squeeze3A_195 = vector.extract %slice3A_194[0] : i32 from vector<1xi32>
      %slice3A_196 = vector.extract_strided_slice %get3A_79 {offsets = [11], sizes = [1], strides = [1]} : vector<16xi32> to vector<1xi32>
      %squeeze3A_197 = vector.extract %slice3A_196[0] : i32 from vector<1xi32>
      %slice3A_198 = vector.extract_strided_slice %get3A_79 {offsets = [12], sizes = [1], strides = [1]} : vector<16xi32> to vector<1xi32>
      %squeeze3A_199 = vector.extract %slice3A_198[0] : i32 from vector<1xi32>
      %slice3A_200 = vector.extract_strided_slice %get3A_79 {offsets = [13], sizes = [1], strides = [1]} : vector<16xi32> to vector<1xi32>
      %squeeze3A_201 = vector.extract %slice3A_200[0] : i32 from vector<1xi32>
      %slice3A_202 = vector.extract_strided_slice %get3A_79 {offsets = [14], sizes = [1], strides = [1]} : vector<16xi32> to vector<1xi32>
      %squeeze3A_203 = vector.extract %slice3A_202[0] : i32 from vector<1xi32>
      %slice3A_204 = vector.extract_strided_slice %get3A_79 {offsets = [15], sizes = [1], strides = [1]} : vector<16xi32> to vector<1xi32>
      %squeeze3A_205 = vector.extract %slice3A_204[0] : i32 from vector<1xi32>
      %scan3A_206 = arith.constant 0 : i32
      %scan3A_207 = arith.constant 0 : i32
      %scan3A_208 = arith.constant 64 : i32
      %scan3A_209 = arith.addi %scan3A_207, %scan3A_208 : i32
      %scan3A_210 = arith.constant 1 : i32
      %scan3A_211 = scf.for %scan3A_215 = %scan3A_207 to %scan3A_209 step %scan3A_210 iter_args(%scan3A_216 = %scan3A_206) -> (i32)  : i32 {
        %mul3A_217 = arith.constant 16 : i32
        %mul3A_218 = arith.muli %scan3A_215, %mul3A_217 : i32
        %multiple_of3A_219 = tpu.assume_multiple %mul3A_218, 16 : i32
        %get3A_220 = arith.constant 0 : i32
        %get3A_221 = arith.index_cast %get3A_220 : i32 to index
        %get3A_222 = arith.index_cast %multiple_of3A_219 : i32 to index
        %get3A_223 = tpu.vector_load %arg22[%get3A_221, %get3A_222] {strides = array<i32>} : memref<16x1024xf32, #tpu.memory_space<vmem>>, vector<1x16xf32>,
        %get3A_224 = vector.shape_cast %get3A_223 : vector<1x16xf32> to vector<16xf32>
        %get3A_225 = arith.constant 0 : i32
        %get3A_226 = arith.index_cast %get3A_225 : i32 to index
        %get3A_227 = arith.index_cast %multiple_of3A_219 : i32 to index
        %get3A_228 = tpu.vector_load %arg23[%get3A_226, %get3A_227] {strides = array<i32>} : memref<16x1024xf32, #tpu.memory_space<vmem>>, vector<1x16xf32>,
        %get3A_229 = vector.shape_cast %get3A_228 : vector<1x16xf32> to vector<16xf32>
        %add3A_230 = arith.addf %get3A_224, %get3A_229 : vector<16xf32>
        %get3A_231 = arith.constant 0 : i32
        %get3A_232 = arith.index_cast %get3A_231 : i32 to index
        %get3A_233 = arith.index_cast %multiple_of3A_219 : i32 to index
        %get3A_234 = tpu.vector_load %arg20[%get3A_232, %get3A_233] {strides = array<i32>} : memref<16x1024xf32, #tpu.memory_space<vmem>>, vector<1x16xf32>,
        %get3A_235 = vector.shape_cast %get3A_234 : vector<1x16xf32> to vector<16xf32>
        %get3A_236 = arith.index_cast %squeeze3A_143 : i32 to index
        %get3A_237 = arith.index_cast %multiple_of3A_219 : i32 to index
        %get3A_238 = tpu.vector_load %arg13[%get3A_236, %get3A_237] {strides = array<i32>} : memref<16x1024xf32, #tpu.memory_space<vmem>>, vector<1x16xf32>,
        %get3A_239 = vector.shape_cast %get3A_238 : vector<1x16xf32> to vector<16xf32>
        %add3A_240 = arith.addf %get3A_235, %get3A_239 : vector<16xf32>
        %mul3A_241 = vector.broadcast %squeeze3A : f32 to vector<16xf32>
        %mul3A_242 = arith.mulf %mul3A_241, %add3A_240 : vector<16xf32>
        %add3A_243 = arith.addf %add3A_230, %mul3A_242 : vector<16xf32>
        %get3A_244 = arith.constant 0 : i32
        %get3A_245 = arith.index_cast %get3A_244 : i32 to index
        %get3A_246 = arith.index_cast %multiple_of3A_219 : i32 to index
        %get3A_247 = tpu.vector_load %arg21[%get3A_245, %get3A_246] {strides = array<i32>} : memref<16x1024xf32, #tpu.memory_space<vmem>>, vector<1x16xf32>,
        %get3A_248 = vector.shape_cast %get3A_247 : vector<1x16xf32> to vector<16xf32>
        %get3A_249 = arith.index_cast %squeeze3A_175 : i32 to index
        %get3A_250 = arith.index_cast %multiple_of3A_219 : i32 to index
        %get3A_251 = tpu.vector_load %arg13[%get3A_249, %get3A_250] {strides = array<i32>} : memref<16x1024xf32, #tpu.memory_space<vmem>>, vector<1x16xf32>,
        %get3A_252 = vector.shape_cast %get3A_251 : vector<1x16xf32> to vector<16xf32>
        %add3A_253 = arith.addf %get3A_248, %get3A_252 : vector<16xf32>
        %mul3A_254 = vector.broadcast %squeeze3A_111 : f32 to vector<16xf32>
        %mul3A_255 = arith.mulf %mul3A_254, %add3A_253 : vector<16xf32>
        %add3A_256 = arith.addf %add3A_243, %mul3A_255 : vector<16xf32>
        %swap3A = arith.constant 0 : i32
        %swap3A_257 = arith.index_cast %swap3A : i32 to index
        %swap3A_258 = arith.index_cast %multiple_of3A_219 : i32 to index
        %swap3A_259 = tpu.vector_load %arg24[%swap3A_257, %swap3A_258] {strides = array<i32>} : memref<16x1024xf32, #tpu.memory_space<vmem>>, vector<1x16xf32>,
        %swap3A_260 = vector.shape_cast %swap3A_259 : vector<1x16xf32> to vector<16xf32>
        %swap3A_261 = vector.shape_cast %add3A_256 : vector<16xf32> to vector<1x16xf32>
        tpu.vector_store %arg24[%swap3A_257, %swap3A_258], %swap3A_261 {strides = array<i32>} : memref<16x1024xf32, #tpu.memory_space<vmem>>, vector<1x16xf32>,
        %get3A_262 = arith.constant 1 : i32
        %get3A_263 = arith.index_cast %get3A_262 : i32 to index
        %get3A_264 = arith.index_cast %multiple_of3A_219 : i32 to index
        %get3A_265 = tpu.vector_load %arg22[%get3A_263, %get3A_264] {strides = array<i32>} : memref<16x1024xf32, #tpu.memory_space<vmem>>, vector<1x16xf32>,
        %get3A_266 = vector.shape_cast %get3A_265 : vector<1x16xf32> to vector<16xf32>
        %get3A_267 = arith.constant 1 : i32
        %get3A_268 = arith.index_cast %get3A_267 : i32 to index
        %get3A_269 = arith.index_cast %multiple_of3A_219 : i32 to index
        %get3A_270 = tpu.vector_load %arg23[%get3A_268, %get3A_269] {strides = array<i32>} : memref<16x1024xf32, #tpu.memory_space<vmem>>, vector<1x16xf32>,
        %get3A_271 = vector.shape_cast %get3A_270 : vector<1x16xf32> to vector<16xf32>
        %add3A_272 = arith.addf %get3A_266, %get3A_271 : vector<16xf32>
        %get3A_273 = arith.constant 1 : i32
        %get3A_274 = arith.index_cast %get3A_273 : i32 to index
        %get3A_275 = arith.index_cast %multiple_of3A_219 : i32 to index
        %get3A_276 = tpu.vector_load %arg20[%get3A_274, %get3A_275] {strides = array<i32>} : memref<16x1024xf32, #tpu.memory_space<vmem>>, vector<1x16xf32>,
        %get3A_277 = vector.shape_cast %get3A_276 : vector<1x16xf32> to vector<16xf32>
        %get3A_278 = arith.index_cast %squeeze3A_145 : i32 to index
        %get3A_279 = arith.index_cast %multiple_of3A_219 : i32 to index
        %get3A_280 = tpu.vector_load %arg13[%get3A_278, %get3A_279] {strides = array<i32>} : memref<16x1024xf32, #tpu.memory_space<vmem>>, vector<1x16xf32>,
        %get3A_281 = vector.shape_cast %get3A_280 : vector<1x16xf32> to vector<16xf32>
        %add3A_282 = arith.addf %get3A_277, %get3A_281 : vector<16xf32>
        %mul3A_283 = vector.broadcast %squeeze3A_81 : f32 to vector<16xf32>
        %mul3A_284 = arith.mulf %mul3A_283, %add3A_282 : vector<16xf32>
        %add3A_285 = arith.addf %add3A_272, %mul3A_284 : vector<16xf32>
        %get3A_286 = arith.constant 1 : i32
        %get3A_287 = arith.index_cast %get3A_286 : i32 to index
        %get3A_288 = arith.index_cast %multiple_of3A_219 : i32 to index
        %get3A_289 = tpu.vector_load %arg21[%get3A_287, %get3A_288] {strides = array<i32>} : memref<16x1024xf32, #tpu.memory_space<vmem>>, vector<1x16xf32>,
        %get3A_290 = vector.shape_cast %get3A_289 : vector<1x16xf32> to vector<16xf32>
        %get3A_291 = arith.index_cast %squeeze3A_177 : i32 to index
        %get3A_292 = arith.index_cast %multiple_of3A_219 : i32 to index
        %get3A_293 = tpu.vector_load %arg13[%get3A_291, %get3A_292] {strides = array<i32>} : memref<16x1024xf32, #tpu.memory_space<vmem>>, vector<1x16xf32>,
        %get3A_294 = vector.shape_cast %get3A_293 : vector<1x16xf32> to vector<16xf32>
        %add3A_295 = arith.addf %get3A_290, %get3A_294 : vector<16xf32>
        %mul3A_296 = vector.broadcast %squeeze3A_113 : f32 to vector<16xf32>
        %mul3A_297 = arith.mulf %mul3A_296, %add3A_295 : vector<16xf32>
        %add3A_298 = arith.addf %add3A_285, %mul3A_297 : vector<16xf32>
        %swap3A_299 = arith.constant 1 : i32
        %swap3A_300 = arith.index_cast %swap3A_299 : i32 to index
        %swap3A_301 = arith.index_cast %multiple_of3A_219 : i32 to index
        %swap3A_302 = tpu.vector_load %arg24[%swap3A_300, %swap3A_301] {strides = array<i32>} : memref<16x1024xf32, #tpu.memory_space<vmem>>, vector<1x16xf32>,
        %swap3A_303 = vector.shape_cast %swap3A_302 : vector<1x16xf32> to vector<16xf32>
        %swap3A_304 = vector.shape_cast %add3A_298 : vector<16xf32> to vector<1x16xf32>
        tpu.vector_store %arg24[%swap3A_300, %swap3A_301], %swap3A_304 {strides = array<i32>} : memref<16x1024xf32, #tpu.memory_space<vmem>>, vector<1x16xf32>,
        %get3A_305 = arith.constant 2 : i32
        %get3A_306 = arith.index_cast %get3A_305 : i32 to index
        %get3A_307 = arith.index_cast %multiple_of3A_219 : i32 to index
        %get3A_308 = tpu.vector_load %arg22[%get3A_306, %get3A_307] {strides = array<i32>} : memref<16x1024xf32, #tpu.memory_space<vmem>>, vector<1x16xf32>,
        %get3A_309 = vector.shape_cast %get3A_308 : vector<1x16xf32> to vector<16xf32>
        %get3A_310 = arith.constant 2 : i32
        %get3A_311 = arith.index_cast %get3A_310 : i32 to index
        %get3A_312 = arith.index_cast %multiple_of3A_219 : i32 to index
        %get3A_313 = tpu.vector_load %arg23[%get3A_311, %get3A_312] {strides = array<i32>} : memref<16x1024xf32, #tpu.memory_space<vmem>>, vector<1x16xf32>,
        %get3A_314 = vector.shape_cast %get3A_313 : vector<1x16xf32> to vector<16xf32>
        %add3A_315 = arith.addf %get3A_309, %get3A_314 : vector<16xf32>
        %get3A_316 = arith.constant 2 : i32
        %get3A_317 = arith.index_cast %get3A_316 : i32 to index
        %get3A_318 = arith.index_cast %multiple_of3A_219 : i32 to index
        %get3A_319 = tpu.vector_load %arg20[%get3A_317, %get3A_318] {strides = array<i32>} : memref<16x1024xf32, #tpu.memory_space<vmem>>, vector<1x16xf32>,
        %get3A_320 = vector.shape_cast %get3A_319 : vector<1x16xf32> to vector<16xf32>
        %get3A_321 = arith.index_cast %squeeze3A_147 : i32 to index
        %get3A_322 = arith.index_cast %multiple_of3A_219 : i32 to index
        %get3A_323 = tpu.vector_load %arg13[%get3A_321, %get3A_322] {strides = array<i32>} : memref<16x1024xf32, #tpu.memory_space<vmem>>, vector<1x16xf32>,
        %get3A_324 = vector.shape_cast %get3A_323 : vector<1x16xf32> to vector<16xf32>
        %add3A_325 = arith.addf %get3A_320, %get3A_324 : vector<16xf32>
        %mul3A_326 = vector.broadcast %squeeze3A_83 : f32 to vector<16xf32>
        %mul3A_327 = arith.mulf %mul3A_326, %add3A_325 : vector<16xf32>
        %add3A_328 = arith.addf %add3A_315, %mul3A_327 : vector<16xf32>
        %get3A_329 = arith.constant 2 : i32
        %get3A_330 = arith.index_cast %get3A_329 : i32 to index
        %get3A_331 = arith.index_cast %multiple_of3A_219 : i32 to index
        %get3A_332 = tpu.vector_load %arg21[%get3A_330, %get3A_331] {strides = array<i32>} : memref<16x1024xf32, #tpu.memory_space<vmem>>, vector<1x16xf32>,
        %get3A_333 = vector.shape_cast %get3A_332 : vector<1x16xf32> to vector<16xf32>
        %get3A_334 = arith.index_cast %squeeze3A_179 : i32 to index
        %get3A_335 = arith.index_cast %multiple_of3A_219 : i32 to index
        %get3A_336 = tpu.vector_load %arg13[%get3A_334, %get3A_335] {strides = array<i32>} : memref<16x1024xf32, #tpu.memory_space<vmem>>, vector<1x16xf32>,
        %get3A_337 = vector.shape_cast %get3A_336 : vector<1x16xf32> to vector<16xf32>
        %add3A_338 = arith.addf %get3A_333, %get3A_337 : vector<16xf32>
        %mul3A_339 = vector.broadcast %squeeze3A_115 : f32 to vector<16xf32>
        %mul3A_340 = arith.mulf %mul3A_339, %add3A_338 : vector<16xf32>
        %add3A_341 = arith.addf %add3A_328, %mul3A_340 : vector<16xf32>
        %swap3A_342 = arith.constant 2 : i32
        %swap3A_343 = arith.index_cast %swap3A_342 : i32 to index
        %swap3A_344 = arith.index_cast %multiple_of3A_219 : i32 to index
        %swap3A_345 = tpu.vector_load %arg24[%swap3A_343, %swap3A_344] {strides = array<i32>} : memref<16x1024xf32, #tpu.memory_space<vmem>>, vector<1x16xf32>,
        %swap3A_346 = vector.shape_cast %swap3A_345 : vector<1x16xf32> to vector<16xf32>
        %swap3A_347 = vector.shape_cast %add3A_341 : vector<16xf32> to vector<1x16xf32>
        tpu.vector_store %arg24[%swap3A_343, %swap3A_344], %swap3A_347 {strides = array<i32>} : memref<16x1024xf32, #tpu.memory_space<vmem>>, vector<1x16xf32>,
        %get3A_348 = arith.constant 3 : i32
        %get3A_349 = arith.index_cast %get3A_348 : i32 to index
        %get3A_350 = arith.index_cast %multiple_of3A_219 : i32 to index
        %get3A_351 = tpu.vector_load %arg22[%get3A_349, %get3A_350] {strides = array<i32>} : memref<16x1024xf32, #tpu.memory_space<vmem>>, vector<1x16xf32>,
        %get3A_352 = vector.shape_cast %get3A_351 : vector<1x16xf32> to vector<16xf32>
        %get3A_353 = arith.constant 3 : i32
        %get3A_354 = arith.index_cast %get3A_353 : i32 to index
        %get3A_355 = arith.index_cast %multiple_of3A_219 : i32 to index
        %get3A_356 = tpu.vector_load %arg23[%get3A_354, %get3A_355] {strides = array<i32>} : memref<16x1024xf32, #tpu.memory_space<vmem>>, vector<1x16xf32>,
        %get3A_357 = vector.shape_cast %get3A_356 : vector<1x16xf32> to vector<16xf32>
        %add3A_358 = arith.addf %get3A_352, %get3A_357 : vector<16xf32>
        %get3A_359 = arith.constant 3 : i32
        %get3A_360 = arith.index_cast %get3A_359 : i32 to index
        %get3A_361 = arith.index_cast %multiple_of3A_219 : i32 to index
        %get3A_362 = tpu.vector_load %arg20[%get3A_360, %get3A_361] {strides = array<i32>} : memref<16x1024xf32, #tpu.memory_space<vmem>>, vector<1x16xf32>,
        %get3A_363 = vector.shape_cast %get3A_362 : vector<1x16xf32> to vector<16xf32>
        %get3A_364 = arith.index_cast %squeeze3A_149 : i32 to index
        %get3A_365 = arith.index_cast %multiple_of3A_219 : i32 to index
        %get3A_366 = tpu.vector_load %arg13[%get3A_364, %get3A_365] {strides = array<i32>} : memref<16x1024xf32, #tpu.memory_space<vmem>>, vector<1x16xf32>,
        %get3A_367 = vector.shape_cast %get3A_366 : vector<1x16xf32> to vector<16xf32>
        %add3A_368 = arith.addf %get3A_363, %get3A_367 : vector<16xf32>
        %mul3A_369 = vector.broadcast %squeeze3A_85 : f32 to vector<16xf32>
        %mul3A_370 = arith.mulf %mul3A_369, %add3A_368 : vector<16xf32>
        %add3A_371 = arith.addf %add3A_358, %mul3A_370 : vector<16xf32>
        %get3A_372 = arith.constant 3 : i32
        %get3A_373 = arith.index_cast %get3A_372 : i32 to index
        %get3A_374 = arith.index_cast %multiple_of3A_219 : i32 to index
        %get3A_375 = tpu.vector_load %arg21[%get3A_373, %get3A_374] {strides = array<i32>} : memref<16x1024xf32, #tpu.memory_space<vmem>>, vector<1x16xf32>,
        %get3A_376 = vector.shape_cast %get3A_375 : vector<1x16xf32> to vector<16xf32>
        %get3A_377 = arith.index_cast %squeeze3A_181 : i32 to index
        %get3A_378 = arith.index_cast %multiple_of3A_219 : i32 to index
        %get3A_379 = tpu.vector_load %arg13[%get3A_377, %get3A_378] {strides = array<i32>} : memref<16x1024xf32, #tpu.memory_space<vmem>>, vector<1x16xf32>,
        %get3A_380 = vector.shape_cast %get3A_379 : vector<1x16xf32> to vector<16xf32>
        %add3A_381 = arith.addf %get3A_376, %get3A_380 : vector<16xf32>
        %mul3A_382 = vector.broadcast %squeeze3A_117 : f32 to vector<16xf32>
        %mul3A_383 = arith.mulf %mul3A_382, %add3A_381 : vector<16xf32>
        %add3A_384 = arith.addf %add3A_371, %mul3A_383 : vector<16xf32>
        %swap3A_385 = arith.constant 3 : i32
        %swap3A_386 = arith.index_cast %swap3A_385 : i32 to index
        %swap3A_387 = arith.index_cast %multiple_of3A_219 : i32 to index
        %swap3A_388 = tpu.vector_load %arg24[%swap3A_386, %swap3A_387] {strides = array<i32>} : memref<16x1024xf32, #tpu.memory_space<vmem>>, vector<1x16xf32>,
        %swap3A_389 = vector.shape_cast %swap3A_388 : vector<1x16xf32> to vector<16xf32>
        %swap3A_390 = vector.shape_cast %add3A_384 : vector<16xf32> to vector<1x16xf32>
        tpu.vector_store %arg24[%swap3A_386, %swap3A_387], %swap3A_390 {strides = array<i32>} : memref<16x1024xf32, #tpu.memory_space<vmem>>, vector<1x16xf32>,
        %get3A_391 = arith.constant 4 : i32
        %get3A_392 = arith.index_cast %get3A_391 : i32 to index
        %get3A_393 = arith.index_cast %multiple_of3A_219 : i32 to index
        %get3A_394 = tpu.vector_load %arg22[%get3A_392, %get3A_393] {strides = array<i32>} : memref<16x1024xf32, #tpu.memory_space<vmem>>, vector<1x16xf32>,
        %get3A_395 = vector.shape_cast %get3A_394 : vector<1x16xf32> to vector<16xf32>
        %get3A_396 = arith.constant 4 : i32
        %get3A_397 = arith.index_cast %get3A_396 : i32 to index
        %get3A_398 = arith.index_cast %multiple_of3A_219 : i32 to index
        %get3A_399 = tpu.vector_load %arg23[%get3A_397, %get3A_398] {strides = array<i32>} : memref<16x1024xf32, #tpu.memory_space<vmem>>, vector<1x16xf32>,
        %get3A_400 = vector.shape_cast %get3A_399 : vector<1x16xf32> to vector<16xf32>
        %add3A_401 = arith.addf %get3A_395, %get3A_400 : vector<16xf32>
        %get3A_402 = arith.constant 4 : i32
        %get3A_403 = arith.index_cast %get3A_402 : i32 to index
        %get3A_404 = arith.index_cast %multiple_of3A_219 : i32 to index
        %get3A_405 = tpu.vector_load %arg20[%get3A_403, %get3A_404] {strides = array<i32>} : memref<16x1024xf32, #tpu.memory_space<vmem>>, vector<1x16xf32>,
        %get3A_406 = vector.shape_cast %get3A_405 : vector<1x16xf32> to vector<16xf32>
        %get3A_407 = arith.index_cast %squeeze3A_151 : i32 to index
        %get3A_408 = arith.index_cast %multiple_of3A_219 : i32 to index
        %get3A_409 = tpu.vector_load %arg13[%get3A_407, %get3A_408] {strides = array<i32>} : memref<16x1024xf32, #tpu.memory_space<vmem>>, vector<1x16xf32>,
        %get3A_410 = vector.shape_cast %get3A_409 : vector<1x16xf32> to vector<16xf32>
        %add3A_411 = arith.addf %get3A_406, %get3A_410 : vector<16xf32>
        %mul3A_412 = vector.broadcast %squeeze3A_87 : f32 to vector<16xf32>
        %mul3A_413 = arith.mulf %mul3A_412, %add3A_411 : vector<16xf32>
        %add3A_414 = arith.addf %add3A_401, %mul3A_413 : vector<16xf32>
        %get3A_415 = arith.constant 4 : i32
        %get3A_416 = arith.index_cast %get3A_415 : i32 to index
        %get3A_417 = arith.index_cast %multiple_of3A_219 : i32 to index
        %get3A_418 = tpu.vector_load %arg21[%get3A_416, %get3A_417] {strides = array<i32>} : memref<16x1024xf32, #tpu.memory_space<vmem>>, vector<1x16xf32>,
        %get3A_419 = vector.shape_cast %get3A_418 : vector<1x16xf32> to vector<16xf32>
        %get3A_420 = arith.index_cast %squeeze3A_183 : i32 to index
        %get3A_421 = arith.index_cast %multiple_of3A_219 : i32 to index
        %get3A_422 = tpu.vector_load %arg13[%get3A_420, %get3A_421] {strides = array<i32>} : memref<16x1024xf32, #tpu.memory_space<vmem>>, vector<1x16xf32>,
        %get3A_423 = vector.shape_cast %get3A_422 : vector<1x16xf32> to vector<16xf32>
        %add3A_424 = arith.addf %get3A_419, %get3A_423 : vector<16xf32>
        %mul3A_425 = vector.broadcast %squeeze3A_119 : f32 to vector<16xf32>
        %mul3A_426 = arith.mulf %mul3A_425, %add3A_424 : vector<16xf32>
        %add3A_427 = arith.addf %add3A_414, %mul3A_426 : vector<16xf32>
        %swap3A_428 = arith.constant 4 : i32
        %swap3A_429 = arith.index_cast %swap3A_428 : i32 to index
        %swap3A_430 = arith.index_cast %multiple_of3A_219 : i32 to index
        %swap3A_431 = tpu.vector_load %arg24[%swap3A_429, %swap3A_430] {strides = array<i32>} : memref<16x1024xf32, #tpu.memory_space<vmem>>, vector<1x16xf32>,
        %swap3A_432 = vector.shape_cast %swap3A_431 : vector<1x16xf32> to vector<16xf32>
        %swap3A_433 = vector.shape_cast %add3A_427 : vector<16xf32> to vector<1x16xf32>
        tpu.vector_store %arg24[%swap3A_429, %swap3A_430], %swap3A_433 {strides = array<i32>} : memref<16x1024xf32, #tpu.memory_space<vmem>>, vector<1x16xf32>,
        %get3A_434 = arith.constant 5 : i32
        %get3A_435 = arith.index_cast %get3A_434 : i32 to index
        %get3A_436 = arith.index_cast %multiple_of3A_219 : i32 to index
        %get3A_437 = tpu.vector_load %arg22[%get3A_435, %get3A_436] {strides = array<i32>} : memref<16x1024xf32, #tpu.memory_space<vmem>>, vector<1x16xf32>,
        %get3A_438 = vector.shape_cast %get3A_437 : vector<1x16xf32> to vector<16xf32>
        %get3A_439 = arith.constant 5 : i32
        %get3A_440 = arith.index_cast %get3A_439 : i32 to index
        %get3A_441 = arith.index_cast %multiple_of3A_219 : i32 to index
        %get3A_442 = tpu.vector_load %arg23[%get3A_440, %get3A_441] {strides = array<i32>} : memref<16x1024xf32, #tpu.memory_space<vmem>>, vector<1x16xf32>,
        %get3A_443 = vector.shape_cast %get3A_442 : vector<1x16xf32> to vector<16xf32>
        %add3A_444 = arith.addf %get3A_438, %get3A_443 : vector<16xf32>
        %get3A_445 = arith.constant 5 : i32
        %get3A_446 = arith.index_cast %get3A_445 : i32 to index
        %get3A_447 = arith.index_cast %multiple_of3A_219 : i32 to index
        %get3A_448 = tpu.vector_load %arg20[%get3A_446, %get3A_447] {strides = array<i32>} : memref<16x1024xf32, #tpu.memory_space<vmem>>, vector<1x16xf32>,
        %get3A_449 = vector.shape_cast %get3A_448 : vector<1x16xf32> to vector<16xf32>
        %get3A_450 = arith.index_cast %squeeze3A_153 : i32 to index
        %get3A_451 = arith.index_cast %multiple_of3A_219 : i32 to index
        %get3A_452 = tpu.vector_load %arg13[%get3A_450, %get3A_451] {strides = array<i32>} : memref<16x1024xf32, #tpu.memory_space<vmem>>, vector<1x16xf32>,
        %get3A_453 = vector.shape_cast %get3A_452 : vector<1x16xf32> to vector<16xf32>
        %add3A_454 = arith.addf %get3A_449, %get3A_453 : vector<16xf32>
        %mul3A_455 = vector.broadcast %squeeze3A_89 : f32 to vector<16xf32>
        %mul3A_456 = arith.mulf %mul3A_455, %add3A_454 : vector<16xf32>
        %add3A_457 = arith.addf %add3A_444, %mul3A_456 : vector<16xf32>
        %get3A_458 = arith.constant 5 : i32
        %get3A_459 = arith.index_cast %get3A_458 : i32 to index
        %get3A_460 = arith.index_cast %multiple_of3A_219 : i32 to index
        %get3A_461 = tpu.vector_load %arg21[%get3A_459, %get3A_460] {strides = array<i32>} : memref<16x1024xf32, #tpu.memory_space<vmem>>, vector<1x16xf32>,
        %get3A_462 = vector.shape_cast %get3A_461 : vector<1x16xf32> to vector<16xf32>
        %get3A_463 = arith.index_cast %squeeze3A_185 : i32 to index
        %get3A_464 = arith.index_cast %multiple_of3A_219 : i32 to index
        %get3A_465 = tpu.vector_load %arg13[%get3A_463, %get3A_464] {strides = array<i32>} : memref<16x1024xf32, #tpu.memory_space<vmem>>, vector<1x16xf32>,
        %get3A_466 = vector.shape_cast %get3A_465 : vector<1x16xf32> to vector<16xf32>
        %add3A_467 = arith.addf %get3A_462, %get3A_466 : vector<16xf32>
        %mul3A_468 = vector.broadcast %squeeze3A_121 : f32 to vector<16xf32>
        %mul3A_469 = arith.mulf %mul3A_468, %add3A_467 : vector<16xf32>
        %add3A_470 = arith.addf %add3A_457, %mul3A_469 : vector<16xf32>
        %swap3A_471 = arith.constant 5 : i32
        %swap3A_472 = arith.index_cast %swap3A_471 : i32 to index
        %swap3A_473 = arith.index_cast %multiple_of3A_219 : i32 to index
        %swap3A_474 = tpu.vector_load %arg24[%swap3A_472, %swap3A_473] {strides = array<i32>} : memref<16x1024xf32, #tpu.memory_space<vmem>>, vector<1x16xf32>,
        %swap3A_475 = vector.shape_cast %swap3A_474 : vector<1x16xf32> to vector<16xf32>
        %swap3A_476 = vector.shape_cast %add3A_470 : vector<16xf32> to vector<1x16xf32>
        tpu.vector_store %arg24[%swap3A_472, %swap3A_473], %swap3A_476 {strides = array<i32>} : memref<16x1024xf32, #tpu.memory_space<vmem>>, vector<1x16xf32>,
        %get3A_477 = arith.constant 6 : i32
        %get3A_478 = arith.index_cast %get3A_477 : i32 to index
        %get3A_479 = arith.index_cast %multiple_of3A_219 : i32 to index
        %get3A_480 = tpu.vector_load %arg22[%get3A_478, %get3A_479] {strides = array<i32>} : memref<16x1024xf32, #tpu.memory_space<vmem>>, vector<1x16xf32>,
        %get3A_481 = vector.shape_cast %get3A_480 : vector<1x16xf32> to vector<16xf32>
        %get3A_482 = arith.constant 6 : i32
        %get3A_483 = arith.index_cast %get3A_482 : i32 to index
        %get3A_484 = arith.index_cast %multiple_of3A_219 : i32 to index
        %get3A_485 = tpu.vector_load %arg23[%get3A_483, %get3A_484] {strides = array<i32>} : memref<16x1024xf32, #tpu.memory_space<vmem>>, vector<1x16xf32>,
        %get3A_486 = vector.shape_cast %get3A_485 : vector<1x16xf32> to vector<16xf32>
        %add3A_487 = arith.addf %get3A_481, %get3A_486 : vector<16xf32>
        %get3A_488 = arith.constant 6 : i32
        %get3A_489 = arith.index_cast %get3A_488 : i32 to index
        %get3A_490 = arith.index_cast %multiple_of3A_219 : i32 to index
        %get3A_491 = tpu.vector_load %arg20[%get3A_489, %get3A_490] {strides = array<i32>} : memref<16x1024xf32, #tpu.memory_space<vmem>>, vector<1x16xf32>,
        %get3A_492 = vector.shape_cast %get3A_491 : vector<1x16xf32> to vector<16xf32>
        %get3A_493 = arith.index_cast %squeeze3A_155 : i32 to index
        %get3A_494 = arith.index_cast %multiple_of3A_219 : i32 to index
        %get3A_495 = tpu.vector_load %arg13[%get3A_493, %get3A_494] {strides = array<i32>} : memref<16x1024xf32, #tpu.memory_space<vmem>>, vector<1x16xf32>,
        %get3A_496 = vector.shape_cast %get3A_495 : vector<1x16xf32> to vector<16xf32>
        %add3A_497 = arith.addf %get3A_492, %get3A_496 : vector<16xf32>
        %mul3A_498 = vector.broadcast %squeeze3A_91 : f32 to vector<16xf32>
        %mul3A_499 = arith.mulf %mul3A_498, %add3A_497 : vector<16xf32>
        %add3A_500 = arith.addf %add3A_487, %mul3A_499 : vector<16xf32>
        %get3A_501 = arith.constant 6 : i32
        %get3A_502 = arith.index_cast %get3A_501 : i32 to index
        %get3A_503 = arith.index_cast %multiple_of3A_219 : i32 to index
        %get3A_504 = tpu.vector_load %arg21[%get3A_502, %get3A_503] {strides = array<i32>} : memref<16x1024xf32, #tpu.memory_space<vmem>>, vector<1x16xf32>,
        %get3A_505 = vector.shape_cast %get3A_504 : vector<1x16xf32> to vector<16xf32>
        %get3A_506 = arith.index_cast %squeeze3A_187 : i32 to index
        %get3A_507 = arith.index_cast %multiple_of3A_219 : i32 to index
        %get3A_508 = tpu.vector_load %arg13[%get3A_506, %get3A_507] {strides = array<i32>} : memref<16x1024xf32, #tpu.memory_space<vmem>>, vector<1x16xf32>,
        %get3A_509 = vector.shape_cast %get3A_508 : vector<1x16xf32> to vector<16xf32>
        %add3A_510 = arith.addf %get3A_505, %get3A_509 : vector<16xf32>
        %mul3A_511 = vector.broadcast %squeeze3A_123 : f32 to vector<16xf32>
        %mul3A_512 = arith.mulf %mul3A_511, %add3A_510 : vector<16xf32>
        %add3A_513 = arith.addf %add3A_500, %mul3A_512 : vector<16xf32>
        %swap3A_514 = arith.constant 6 : i32
        %swap3A_515 = arith.index_cast %swap3A_514 : i32 to index
        %swap3A_516 = arith.index_cast %multiple_of3A_219 : i32 to index
        %swap3A_517 = tpu.vector_load %arg24[%swap3A_515, %swap3A_516] {strides = array<i32>} : memref<16x1024xf32, #tpu.memory_space<vmem>>, vector<1x16xf32>,
        %swap3A_518 = vector.shape_cast %swap3A_517 : vector<1x16xf32> to vector<16xf32>
        %swap3A_519 = vector.shape_cast %add3A_513 : vector<16xf32> to vector<1x16xf32>
        tpu.vector_store %arg24[%swap3A_515, %swap3A_516], %swap3A_519 {strides = array<i32>} : memref<16x1024xf32, #tpu.memory_space<vmem>>, vector<1x16xf32>,
        %get3A_520 = arith.constant 7 : i32
        %get3A_521 = arith.index_cast %get3A_520 : i32 to index
        %get3A_522 = arith.index_cast %multiple_of3A_219 : i32 to index
        %get3A_523 = tpu.vector_load %arg22[%get3A_521, %get3A_522] {strides = array<i32>} : memref<16x1024xf32, #tpu.memory_space<vmem>>, vector<1x16xf32>,
        %get3A_524 = vector.shape_cast %get3A_523 : vector<1x16xf32> to vector<16xf32>
        %get3A_525 = arith.constant 7 : i32
        %get3A_526 = arith.index_cast %get3A_525 : i32 to index
        %get3A_527 = arith.index_cast %multiple_of3A_219 : i32 to index
        %get3A_528 = tpu.vector_load %arg23[%get3A_526, %get3A_527] {strides = array<i32>} : memref<16x1024xf32, #tpu.memory_space<vmem>>, vector<1x16xf32>,
        %get3A_529 = vector.shape_cast %get3A_528 : vector<1x16xf32> to vector<16xf32>
        %add3A_530 = arith.addf %get3A_524, %get3A_529 : vector<16xf32>
        %get3A_531 = arith.constant 7 : i32
        %get3A_532 = arith.index_cast %get3A_531 : i32 to index
        %get3A_533 = arith.index_cast %multiple_of3A_219 : i32 to index
        %get3A_534 = tpu.vector_load %arg20[%get3A_532, %get3A_533] {strides = array<i32>} : memref<16x1024xf32, #tpu.memory_space<vmem>>, vector<1x16xf32>,
        %get3A_535 = vector.shape_cast %get3A_534 : vector<1x16xf32> to vector<16xf32>
        %get3A_536 = arith.index_cast %squeeze3A_157 : i32 to index
        %get3A_537 = arith.index_cast %multiple_of3A_219 : i32 to index
        %get3A_538 = tpu.vector_load %arg13[%get3A_536, %get3A_537] {strides = array<i32>} : memref<16x1024xf32, #tpu.memory_space<vmem>>, vector<1x16xf32>,
        %get3A_539 = vector.shape_cast %get3A_538 : vector<1x16xf32> to vector<16xf32>
        %add3A_540 = arith.addf %get3A_535, %get3A_539 : vector<16xf32>
        %mul3A_541 = vector.broadcast %squeeze3A_93 : f32 to vector<16xf32>
        %mul3A_542 = arith.mulf %mul3A_541, %add3A_540 : vector<16xf32>
        %add3A_543 = arith.addf %add3A_530, %mul3A_542 : vector<16xf32>
        %get3A_544 = arith.constant 7 : i32
        %get3A_545 = arith.index_cast %get3A_544 : i32 to index
        %get3A_546 = arith.index_cast %multiple_of3A_219 : i32 to index
        %get3A_547 = tpu.vector_load %arg21[%get3A_545, %get3A_546] {strides = array<i32>} : memref<16x1024xf32, #tpu.memory_space<vmem>>, vector<1x16xf32>,
        %get3A_548 = vector.shape_cast %get3A_547 : vector<1x16xf32> to vector<16xf32>
        %get3A_549 = arith.index_cast %squeeze3A_189 : i32 to index
        %get3A_550 = arith.index_cast %multiple_of3A_219 : i32 to index
        %get3A_551 = tpu.vector_load %arg13[%get3A_549, %get3A_550] {strides = array<i32>} : memref<16x1024xf32, #tpu.memory_space<vmem>>, vector<1x16xf32>,
        %get3A_552 = vector.shape_cast %get3A_551 : vector<1x16xf32> to vector<16xf32>
        %add3A_553 = arith.addf %get3A_548, %get3A_552 : vector<16xf32>
        %mul3A_554 = vector.broadcast %squeeze3A_125 : f32 to vector<16xf32>
        %mul3A_555 = arith.mulf %mul3A_554, %add3A_553 : vector<16xf32>
        %add3A_556 = arith.addf %add3A_543, %mul3A_555 : vector<16xf32>
        %swap3A_557 = arith.constant 7 : i32
        %swap3A_558 = arith.index_cast %swap3A_557 : i32 to index
        %swap3A_559 = arith.index_cast %multiple_of3A_219 : i32 to index
        %swap3A_560 = tpu.vector_load %arg24[%swap3A_558, %swap3A_559] {strides = array<i32>} : memref<16x1024xf32, #tpu.memory_space<vmem>>, vector<1x16xf32>,
        %swap3A_561 = vector.shape_cast %swap3A_560 : vector<1x16xf32> to vector<16xf32>
        %swap3A_562 = vector.shape_cast %add3A_556 : vector<16xf32> to vector<1x16xf32>
        tpu.vector_store %arg24[%swap3A_558, %swap3A_559], %swap3A_562 {strides = array<i32>} : memref<16x1024xf32, #tpu.memory_space<vmem>>, vector<1x16xf32>,
        %get3A_563 = arith.constant 8 : i32
        %get3A_564 = arith.index_cast %get3A_563 : i32 to index
        %get3A_565 = arith.index_cast %multiple_of3A_219 : i32 to index
        %get3A_566 = tpu.vector_load %arg22[%get3A_564, %get3A_565] {strides = array<i32>} : memref<16x1024xf32, #tpu.memory_space<vmem>>, vector<1x16xf32>,
        %get3A_567 = vector.shape_cast %get3A_566 : vector<1x16xf32> to vector<16xf32>
        %get3A_568 = arith.constant 8 : i32
        %get3A_569 = arith.index_cast %get3A_568 : i32 to index
        %get3A_570 = arith.index_cast %multiple_of3A_219 : i32 to index
        %get3A_571 = tpu.vector_load %arg23[%get3A_569, %get3A_570] {strides = array<i32>} : memref<16x1024xf32, #tpu.memory_space<vmem>>, vector<1x16xf32>,
        %get3A_572 = vector.shape_cast %get3A_571 : vector<1x16xf32> to vector<16xf32>
        %add3A_573 = arith.addf %get3A_567, %get3A_572 : vector<16xf32>
        %get3A_574 = arith.constant 8 : i32
        %get3A_575 = arith.index_cast %get3A_574 : i32 to index
        %get3A_576 = arith.index_cast %multiple_of3A_219 : i32 to index
        %get3A_577 = tpu.vector_load %arg20[%get3A_575, %get3A_576] {strides = array<i32>} : memref<16x1024xf32, #tpu.memory_space<vmem>>, vector<1x16xf32>,
        %get3A_578 = vector.shape_cast %get3A_577 : vector<1x16xf32> to vector<16xf32>
        %get3A_579 = arith.index_cast %squeeze3A_159 : i32 to index
        %get3A_580 = arith.index_cast %multiple_of3A_219 : i32 to index
        %get3A_581 = tpu.vector_load %arg13[%get3A_579, %get3A_580] {strides = array<i32>} : memref<16x1024xf32, #tpu.memory_space<vmem>>, vector<1x16xf32>,
        %get3A_582 = vector.shape_cast %get3A_581 : vector<1x16xf32> to vector<16xf32>
        %add3A_583 = arith.addf %get3A_578, %get3A_582 : vector<16xf32>
        %mul3A_584 = vector.broadcast %squeeze3A_95 : f32 to vector<16xf32>
        %mul3A_585 = arith.mulf %mul3A_584, %add3A_583 : vector<16xf32>
        %add3A_586 = arith.addf %add3A_573, %mul3A_585 : vector<16xf32>
        %get3A_587 = arith.constant 8 : i32
        %get3A_588 = arith.index_cast %get3A_587 : i32 to index
        %get3A_589 = arith.index_cast %multiple_of3A_219 : i32 to index
        %get3A_590 = tpu.vector_load %arg21[%get3A_588, %get3A_589] {strides = array<i32>} : memref<16x1024xf32, #tpu.memory_space<vmem>>, vector<1x16xf32>,
        %get3A_591 = vector.shape_cast %get3A_590 : vector<1x16xf32> to vector<16xf32>
        %get3A_592 = arith.index_cast %squeeze3A_191 : i32 to index
        %get3A_593 = arith.index_cast %multiple_of3A_219 : i32 to index
        %get3A_594 = tpu.vector_load %arg13[%get3A_592, %get3A_593] {strides = array<i32>} : memref<16x1024xf32, #tpu.memory_space<vmem>>, vector<1x16xf32>,
        %get3A_595 = vector.shape_cast %get3A_594 : vector<1x16xf32> to vector<16xf32>
        %add3A_596 = arith.addf %get3A_591, %get3A_595 : vector<16xf32>
        %mul3A_597 = vector.broadcast %squeeze3A_127 : f32 to vector<16xf32>
        %mul3A_598 = arith.mulf %mul3A_597, %add3A_596 : vector<16xf32>
        %add3A_599 = arith.addf %add3A_586, %mul3A_598 : vector<16xf32>
        %swap3A_600 = arith.constant 8 : i32
        %swap3A_601 = arith.index_cast %swap3A_600 : i32 to index
        %swap3A_602 = arith.index_cast %multiple_of3A_219 : i32 to index
        %swap3A_603 = tpu.vector_load %arg24[%swap3A_601, %swap3A_602] {strides = array<i32>} : memref<16x1024xf32, #tpu.memory_space<vmem>>, vector<1x16xf32>,
        %swap3A_604 = vector.shape_cast %swap3A_603 : vector<1x16xf32> to vector<16xf32>
        %swap3A_605 = vector.shape_cast %add3A_599 : vector<16xf32> to vector<1x16xf32>
        tpu.vector_store %arg24[%swap3A_601, %swap3A_602], %swap3A_605 {strides = array<i32>} : memref<16x1024xf32, #tpu.memory_space<vmem>>, vector<1x16xf32>,
        %get3A_606 = arith.constant 9 : i32
        %get3A_607 = arith.index_cast %get3A_606 : i32 to index
        %get3A_608 = arith.index_cast %multiple_of3A_219 : i32 to index
        %get3A_609 = tpu.vector_load %arg22[%get3A_607, %get3A_608] {strides = array<i32>} : memref<16x1024xf32, #tpu.memory_space<vmem>>, vector<1x16xf32>,
        %get3A_610 = vector.shape_cast %get3A_609 : vector<1x16xf32> to vector<16xf32>
        %get3A_611 = arith.constant 9 : i32
        %get3A_612 = arith.index_cast %get3A_611 : i32 to index
        %get3A_613 = arith.index_cast %multiple_of3A_219 : i32 to index
        %get3A_614 = tpu.vector_load %arg23[%get3A_612, %get3A_613] {strides = array<i32>} : memref<16x1024xf32, #tpu.memory_space<vmem>>, vector<1x16xf32>,
        %get3A_615 = vector.shape_cast %get3A_614 : vector<1x16xf32> to vector<16xf32>
        %add3A_616 = arith.addf %get3A_610, %get3A_615 : vector<16xf32>
        %get3A_617 = arith.constant 9 : i32
        %get3A_618 = arith.index_cast %get3A_617 : i32 to index
        %get3A_619 = arith.index_cast %multiple_of3A_219 : i32 to index
        %get3A_620 = tpu.vector_load %arg20[%get3A_618, %get3A_619] {strides = array<i32>} : memref<16x1024xf32, #tpu.memory_space<vmem>>, vector<1x16xf32>,
        %get3A_621 = vector.shape_cast %get3A_620 : vector<1x16xf32> to vector<16xf32>
        %get3A_622 = arith.index_cast %squeeze3A_161 : i32 to index
        %get3A_623 = arith.index_cast %multiple_of3A_219 : i32 to index
        %get3A_624 = tpu.vector_load %arg13[%get3A_622, %get3A_623] {strides = array<i32>} : memref<16x1024xf32, #tpu.memory_space<vmem>>, vector<1x16xf32>,
        %get3A_625 = vector.shape_cast %get3A_624 : vector<1x16xf32> to vector<16xf32>
        %add3A_626 = arith.addf %get3A_621, %get3A_625 : vector<16xf32>
        %mul3A_627 = vector.broadcast %squeeze3A_97 : f32 to vector<16xf32>
        %mul3A_628 = arith.mulf %mul3A_627, %add3A_626 : vector<16xf32>
        %add3A_629 = arith.addf %add3A_616, %mul3A_628 : vector<16xf32>
        %get3A_630 = arith.constant 9 : i32
        %get3A_631 = arith.index_cast %get3A_630 : i32 to index
        %get3A_632 = arith.index_cast %multiple_of3A_219 : i32 to index
        %get3A_633 = tpu.vector_load %arg21[%get3A_631, %get3A_632] {strides = array<i32>} : memref<16x1024xf32, #tpu.memory_space<vmem>>, vector<1x16xf32>,
        %get3A_634 = vector.shape_cast %get3A_633 : vector<1x16xf32> to vector<16xf32>
        %get3A_635 = arith.index_cast %squeeze3A_193 : i32 to index
        %get3A_636 = arith.index_cast %multiple_of3A_219 : i32 to index
        %get3A_637 = tpu.vector_load %arg13[%get3A_635, %get3A_636] {strides = array<i32>} : memref<16x1024xf32, #tpu.memory_space<vmem>>, vector<1x16xf32>,
        %get3A_638 = vector.shape_cast %get3A_637 : vector<1x16xf32> to vector<16xf32>
        %add3A_639 = arith.addf %get3A_634, %get3A_638 : vector<16xf32>
        %mul3A_640 = vector.broadcast %squeeze3A_129 : f32 to vector<16xf32>
        %mul3A_641 = arith.mulf %mul3A_640, %add3A_639 : vector<16xf32>
        %add3A_642 = arith.addf %add3A_629, %mul3A_641 : vector<16xf32>
        %swap3A_643 = arith.constant 9 : i32
        %swap3A_644 = arith.index_cast %swap3A_643 : i32 to index
        %swap3A_645 = arith.index_cast %multiple_of3A_219 : i32 to index
        %swap3A_646 = tpu.vector_load %arg24[%swap3A_644, %swap3A_645] {strides = array<i32>} : memref<16x1024xf32, #tpu.memory_space<vmem>>, vector<1x16xf32>,
        %swap3A_647 = vector.shape_cast %swap3A_646 : vector<1x16xf32> to vector<16xf32>
        %swap3A_648 = vector.shape_cast %add3A_642 : vector<16xf32> to vector<1x16xf32>
        tpu.vector_store %arg24[%swap3A_644, %swap3A_645], %swap3A_648 {strides = array<i32>} : memref<16x1024xf32, #tpu.memory_space<vmem>>, vector<1x16xf32>,
        %get3A_649 = arith.constant 10 : i32
        %get3A_650 = arith.index_cast %get3A_649 : i32 to index
        %get3A_651 = arith.index_cast %multiple_of3A_219 : i32 to index
        %get3A_652 = tpu.vector_load %arg22[%get3A_650, %get3A_651] {strides = array<i32>} : memref<16x1024xf32, #tpu.memory_space<vmem>>, vector<1x16xf32>,
        %get3A_653 = vector.shape_cast %get3A_652 : vector<1x16xf32> to vector<16xf32>
        %get3A_654 = arith.constant 10 : i32
        %get3A_655 = arith.index_cast %get3A_654 : i32 to index
        %get3A_656 = arith.index_cast %multiple_of3A_219 : i32 to index
        %get3A_657 = tpu.vector_load %arg23[%get3A_655, %get3A_656] {strides = array<i32>} : memref<16x1024xf32, #tpu.memory_space<vmem>>, vector<1x16xf32>,
        %get3A_658 = vector.shape_cast %get3A_657 : vector<1x16xf32> to vector<16xf32>
        %add3A_659 = arith.addf %get3A_653, %get3A_658 : vector<16xf32>
        %get3A_660 = arith.constant 10 : i32
        %get3A_661 = arith.index_cast %get3A_660 : i32 to index
        %get3A_662 = arith.index_cast %multiple_of3A_219 : i32 to index
        %get3A_663 = tpu.vector_load %arg20[%get3A_661, %get3A_662] {strides = array<i32>} : memref<16x1024xf32, #tpu.memory_space<vmem>>, vector<1x16xf32>,
        %get3A_664 = vector.shape_cast %get3A_663 : vector<1x16xf32> to vector<16xf32>
        %get3A_665 = arith.index_cast %squeeze3A_163 : i32 to index
        %get3A_666 = arith.index_cast %multiple_of3A_219 : i32 to index
        %get3A_667 = tpu.vector_load %arg13[%get3A_665, %get3A_666] {strides = array<i32>} : memref<16x1024xf32, #tpu.memory_space<vmem>>, vector<1x16xf32>,
        %get3A_668 = vector.shape_cast %get3A_667 : vector<1x16xf32> to vector<16xf32>
        %add3A_669 = arith.addf %get3A_664, %get3A_668 : vector<16xf32>
        %mul3A_670 = vector.broadcast %squeeze3A_99 : f32 to vector<16xf32>
        %mul3A_671 = arith.mulf %mul3A_670, %add3A_669 : vector<16xf32>
        %add3A_672 = arith.addf %add3A_659, %mul3A_671 : vector<16xf32>
        %get3A_673 = arith.constant 10 : i32
        %get3A_674 = arith.index_cast %get3A_673 : i32 to index
        %get3A_675 = arith.index_cast %multiple_of3A_219 : i32 to index
        %get3A_676 = tpu.vector_load %arg21[%get3A_674, %get3A_675] {strides = array<i32>} : memref<16x1024xf32, #tpu.memory_space<vmem>>, vector<1x16xf32>,
        %get3A_677 = vector.shape_cast %get3A_676 : vector<1x16xf32> to vector<16xf32>
        %get3A_678 = arith.index_cast %squeeze3A_195 : i32 to index
        %get3A_679 = arith.index_cast %multiple_of3A_219 : i32 to index
        %get3A_680 = tpu.vector_load %arg13[%get3A_678, %get3A_679] {strides = array<i32>} : memref<16x1024xf32, #tpu.memory_space<vmem>>, vector<1x16xf32>,
        %get3A_681 = vector.shape_cast %get3A_680 : vector<1x16xf32> to vector<16xf32>
        %add3A_682 = arith.addf %get3A_677, %get3A_681 : vector<16xf32>
        %mul3A_683 = vector.broadcast %squeeze3A_131 : f32 to vector<16xf32>
        %mul3A_684 = arith.mulf %mul3A_683, %add3A_682 : vector<16xf32>
        %add3A_685 = arith.addf %add3A_672, %mul3A_684 : vector<16xf32>
        %swap3A_686 = arith.constant 10 : i32
        %swap3A_687 = arith.index_cast %swap3A_686 : i32 to index
        %swap3A_688 = arith.index_cast %multiple_of3A_219 : i32 to index
        %swap3A_689 = tpu.vector_load %arg24[%swap3A_687, %swap3A_688] {strides = array<i32>} : memref<16x1024xf32, #tpu.memory_space<vmem>>, vector<1x16xf32>,
        %swap3A_690 = vector.shape_cast %swap3A_689 : vector<1x16xf32> to vector<16xf32>
        %swap3A_691 = vector.shape_cast %add3A_685 : vector<16xf32> to vector<1x16xf32>
        tpu.vector_store %arg24[%swap3A_687, %swap3A_688], %swap3A_691 {strides = array<i32>} : memref<16x1024xf32, #tpu.memory_space<vmem>>, vector<1x16xf32>,
        %get3A_692 = arith.constant 11 : i32
        %get3A_693 = arith.index_cast %get3A_692 : i32 to index
        %get3A_694 = arith.index_cast %multiple_of3A_219 : i32 to index
        %get3A_695 = tpu.vector_load %arg22[%get3A_693, %get3A_694] {strides = array<i32>} : memref<16x1024xf32, #tpu.memory_space<vmem>>, vector<1x16xf32>,
        %get3A_696 = vector.shape_cast %get3A_695 : vector<1x16xf32> to vector<16xf32>
        %get3A_697 = arith.constant 11 : i32
        %get3A_698 = arith.index_cast %get3A_697 : i32 to index
        %get3A_699 = arith.index_cast %multiple_of3A_219 : i32 to index
        %get3A_700 = tpu.vector_load %arg23[%get3A_698, %get3A_699] {strides = array<i32>} : memref<16x1024xf32, #tpu.memory_space<vmem>>, vector<1x16xf32>,
        %get3A_701 = vector.shape_cast %get3A_700 : vector<1x16xf32> to vector<16xf32>
        %add3A_702 = arith.addf %get3A_696, %get3A_701 : vector<16xf32>
        %get3A_703 = arith.constant 11 : i32
        %get3A_704 = arith.index_cast %get3A_703 : i32 to index
        %get3A_705 = arith.index_cast %multiple_of3A_219 : i32 to index
        %get3A_706 = tpu.vector_load %arg20[%get3A_704, %get3A_705] {strides = array<i32>} : memref<16x1024xf32, #tpu.memory_space<vmem>>, vector<1x16xf32>,
        %get3A_707 = vector.shape_cast %get3A_706 : vector<1x16xf32> to vector<16xf32>
        %get3A_708 = arith.index_cast %squeeze3A_165 : i32 to index
        %get3A_709 = arith.index_cast %multiple_of3A_219 : i32 to index
        %get3A_710 = tpu.vector_load %arg13[%get3A_708, %get3A_709] {strides = array<i32>} : memref<16x1024xf32, #tpu.memory_space<vmem>>, vector<1x16xf32>,
        %get3A_711 = vector.shape_cast %get3A_710 : vector<1x16xf32> to vector<16xf32>
        %add3A_712 = arith.addf %get3A_707, %get3A_711 : vector<16xf32>
        %mul3A_713 = vector.broadcast %squeeze3A_101 : f32 to vector<16xf32>
        %mul3A_714 = arith.mulf %mul3A_713, %add3A_712 : vector<16xf32>
        %add3A_715 = arith.addf %add3A_702, %mul3A_714 : vector<16xf32>
        %get3A_716 = arith.constant 11 : i32
        %get3A_717 = arith.index_cast %get3A_716 : i32 to index
        %get3A_718 = arith.index_cast %multiple_of3A_219 : i32 to index
        %get3A_719 = tpu.vector_load %arg21[%get3A_717, %get3A_718] {strides = array<i32>} : memref<16x1024xf32, #tpu.memory_space<vmem>>, vector<1x16xf32>,
        %get3A_720 = vector.shape_cast %get3A_719 : vector<1x16xf32> to vector<16xf32>
        %get3A_721 = arith.index_cast %squeeze3A_197 : i32 to index
        %get3A_722 = arith.index_cast %multiple_of3A_219 : i32 to index
        %get3A_723 = tpu.vector_load %arg13[%get3A_721, %get3A_722] {strides = array<i32>} : memref<16x1024xf32, #tpu.memory_space<vmem>>, vector<1x16xf32>,
        %get3A_724 = vector.shape_cast %get3A_723 : vector<1x16xf32> to vector<16xf32>
        %add3A_725 = arith.addf %get3A_720, %get3A_724 : vector<16xf32>
        %mul3A_726 = vector.broadcast %squeeze3A_133 : f32 to vector<16xf32>
        %mul3A_727 = arith.mulf %mul3A_726, %add3A_725 : vector<16xf32>
        %add3A_728 = arith.addf %add3A_715, %mul3A_727 : vector<16xf32>
        %swap3A_729 = arith.constant 11 : i32
        %swap3A_730 = arith.index_cast %swap3A_729 : i32 to index
        %swap3A_731 = arith.index_cast %multiple_of3A_219 : i32 to index
        %swap3A_732 = tpu.vector_load %arg24[%swap3A_730, %swap3A_731] {strides = array<i32>} : memref<16x1024xf32, #tpu.memory_space<vmem>>, vector<1x16xf32>,
        %swap3A_733 = vector.shape_cast %swap3A_732 : vector<1x16xf32> to vector<16xf32>
        %swap3A_734 = vector.shape_cast %add3A_728 : vector<16xf32> to vector<1x16xf32>
        tpu.vector_store %arg24[%swap3A_730, %swap3A_731], %swap3A_734 {strides = array<i32>} : memref<16x1024xf32, #tpu.memory_space<vmem>>, vector<1x16xf32>,
        %get3A_735 = arith.constant 12 : i32
        %get3A_736 = arith.index_cast %get3A_735 : i32 to index
        %get3A_737 = arith.index_cast %multiple_of3A_219 : i32 to index
        %get3A_738 = tpu.vector_load %arg22[%get3A_736, %get3A_737] {strides = array<i32>} : memref<16x1024xf32, #tpu.memory_space<vmem>>, vector<1x16xf32>,
        %get3A_739 = vector.shape_cast %get3A_738 : vector<1x16xf32> to vector<16xf32>
        %get3A_740 = arith.constant 12 : i32
        %get3A_741 = arith.index_cast %get3A_740 : i32 to index
        %get3A_742 = arith.index_cast %multiple_of3A_219 : i32 to index
        %get3A_743 = tpu.vector_load %arg23[%get3A_741, %get3A_742] {strides = array<i32>} : memref<16x1024xf32, #tpu.memory_space<vmem>>, vector<1x16xf32>,
        %get3A_744 = vector.shape_cast %get3A_743 : vector<1x16xf32> to vector<16xf32>
        %add3A_745 = arith.addf %get3A_739, %get3A_744 : vector<16xf32>
        %get3A_746 = arith.constant 12 : i32
        %get3A_747 = arith.index_cast %get3A_746 : i32 to index
        %get3A_748 = arith.index_cast %multiple_of3A_219 : i32 to index
        %get3A_749 = tpu.vector_load %arg20[%get3A_747, %get3A_748] {strides = array<i32>} : memref<16x1024xf32, #tpu.memory_space<vmem>>, vector<1x16xf32>,
        %get3A_750 = vector.shape_cast %get3A_749 : vector<1x16xf32> to vector<16xf32>
        %get3A_751 = arith.index_cast %squeeze3A_167 : i32 to index
        %get3A_752 = arith.index_cast %multiple_of3A_219 : i32 to index
        %get3A_753 = tpu.vector_load %arg13[%get3A_751, %get3A_752] {strides = array<i32>} : memref<16x1024xf32, #tpu.memory_space<vmem>>, vector<1x16xf32>,
        %get3A_754 = vector.shape_cast %get3A_753 : vector<1x16xf32> to vector<16xf32>
        %add3A_755 = arith.addf %get3A_750, %get3A_754 : vector<16xf32>
        %mul3A_756 = vector.broadcast %squeeze3A_103 : f32 to vector<16xf32>
        %mul3A_757 = arith.mulf %mul3A_756, %add3A_755 : vector<16xf32>
        %add3A_758 = arith.addf %add3A_745, %mul3A_757 : vector<16xf32>
        %get3A_759 = arith.constant 12 : i32
        %get3A_760 = arith.index_cast %get3A_759 : i32 to index
        %get3A_761 = arith.index_cast %multiple_of3A_219 : i32 to index
        %get3A_762 = tpu.vector_load %arg21[%get3A_760, %get3A_761] {strides = array<i32>} : memref<16x1024xf32, #tpu.memory_space<vmem>>, vector<1x16xf32>,
        %get3A_763 = vector.shape_cast %get3A_762 : vector<1x16xf32> to vector<16xf32>
        %get3A_764 = arith.index_cast %squeeze3A_199 : i32 to index
        %get3A_765 = arith.index_cast %multiple_of3A_219 : i32 to index
        %get3A_766 = tpu.vector_load %arg13[%get3A_764, %get3A_765] {strides = array<i32>} : memref<16x1024xf32, #tpu.memory_space<vmem>>, vector<1x16xf32>,
        %get3A_767 = vector.shape_cast %get3A_766 : vector<1x16xf32> to vector<16xf32>
        %add3A_768 = arith.addf %get3A_763, %get3A_767 : vector<16xf32>
        %mul3A_769 = vector.broadcast %squeeze3A_135 : f32 to vector<16xf32>
        %mul3A_770 = arith.mulf %mul3A_769, %add3A_768 : vector<16xf32>
        %add3A_771 = arith.addf %add3A_758, %mul3A_770 : vector<16xf32>
        %swap3A_772 = arith.constant 12 : i32
        %swap3A_773 = arith.index_cast %swap3A_772 : i32 to index
        %swap3A_774 = arith.index_cast %multiple_of3A_219 : i32 to index
        %swap3A_775 = tpu.vector_load %arg24[%swap3A_773, %swap3A_774] {strides = array<i32>} : memref<16x1024xf32, #tpu.memory_space<vmem>>, vector<1x16xf32>,
        %swap3A_776 = vector.shape_cast %swap3A_775 : vector<1x16xf32> to vector<16xf32>
        %swap3A_777 = vector.shape_cast %add3A_771 : vector<16xf32> to vector<1x16xf32>
        tpu.vector_store %arg24[%swap3A_773, %swap3A_774], %swap3A_777 {strides = array<i32>} : memref<16x1024xf32, #tpu.memory_space<vmem>>, vector<1x16xf32>,
        %get3A_778 = arith.constant 13 : i32
        %get3A_779 = arith.index_cast %get3A_778 : i32 to index
        %get3A_780 = arith.index_cast %multiple_of3A_219 : i32 to index
        %get3A_781 = tpu.vector_load %arg22[%get3A_779, %get3A_780] {strides = array<i32>} : memref<16x1024xf32, #tpu.memory_space<vmem>>, vector<1x16xf32>,
        %get3A_782 = vector.shape_cast %get3A_781 : vector<1x16xf32> to vector<16xf32>
        %get3A_783 = arith.constant 13 : i32
        %get3A_784 = arith.index_cast %get3A_783 : i32 to index
        %get3A_785 = arith.index_cast %multiple_of3A_219 : i32 to index
        %get3A_786 = tpu.vector_load %arg23[%get3A_784, %get3A_785] {strides = array<i32>} : memref<16x1024xf32, #tpu.memory_space<vmem>>, vector<1x16xf32>,
        %get3A_787 = vector.shape_cast %get3A_786 : vector<1x16xf32> to vector<16xf32>
        %add3A_788 = arith.addf %get3A_782, %get3A_787 : vector<16xf32>
        %get3A_789 = arith.constant 13 : i32
        %get3A_790 = arith.index_cast %get3A_789 : i32 to index
        %get3A_791 = arith.index_cast %multiple_of3A_219 : i32 to index
        %get3A_792 = tpu.vector_load %arg20[%get3A_790, %get3A_791] {strides = array<i32>} : memref<16x1024xf32, #tpu.memory_space<vmem>>, vector<1x16xf32>,
        %get3A_793 = vector.shape_cast %get3A_792 : vector<1x16xf32> to vector<16xf32>
        %get3A_794 = arith.index_cast %squeeze3A_169 : i32 to index
        %get3A_795 = arith.index_cast %multiple_of3A_219 : i32 to index
        %get3A_796 = tpu.vector_load %arg13[%get3A_794, %get3A_795] {strides = array<i32>} : memref<16x1024xf32, #tpu.memory_space<vmem>>, vector<1x16xf32>,
        %get3A_797 = vector.shape_cast %get3A_796 : vector<1x16xf32> to vector<16xf32>
        %add3A_798 = arith.addf %get3A_793, %get3A_797 : vector<16xf32>
        %mul3A_799 = vector.broadcast %squeeze3A_105 : f32 to vector<16xf32>
        %mul3A_800 = arith.mulf %mul3A_799, %add3A_798 : vector<16xf32>
        %add3A_801 = arith.addf %add3A_788, %mul3A_800 : vector<16xf32>
        %get3A_802 = arith.constant 13 : i32
        %get3A_803 = arith.index_cast %get3A_802 : i32 to index
        %get3A_804 = arith.index_cast %multiple_of3A_219 : i32 to index
        %get3A_805 = tpu.vector_load %arg21[%get3A_803, %get3A_804] {strides = array<i32>} : memref<16x1024xf32, #tpu.memory_space<vmem>>, vector<1x16xf32>,
        %get3A_806 = vector.shape_cast %get3A_805 : vector<1x16xf32> to vector<16xf32>
        %get3A_807 = arith.index_cast %squeeze3A_201 : i32 to index
        %get3A_808 = arith.index_cast %multiple_of3A_219 : i32 to index
        %get3A_809 = tpu.vector_load %arg13[%get3A_807, %get3A_808] {strides = array<i32>} : memref<16x1024xf32, #tpu.memory_space<vmem>>, vector<1x16xf32>,
        %get3A_810 = vector.shape_cast %get3A_809 : vector<1x16xf32> to vector<16xf32>
        %add3A_811 = arith.addf %get3A_806, %get3A_810 : vector<16xf32>
        %mul3A_812 = vector.broadcast %squeeze3A_137 : f32 to vector<16xf32>
        %mul3A_813 = arith.mulf %mul3A_812, %add3A_811 : vector<16xf32>
        %add3A_814 = arith.addf %add3A_801, %mul3A_813 : vector<16xf32>
        %swap3A_815 = arith.constant 13 : i32
        %swap3A_816 = arith.index_cast %swap3A_815 : i32 to index
        %swap3A_817 = arith.index_cast %multiple_of3A_219 : i32 to index
        %swap3A_818 = tpu.vector_load %arg24[%swap3A_816, %swap3A_817] {strides = array<i32>} : memref<16x1024xf32, #tpu.memory_space<vmem>>, vector<1x16xf32>,
        %swap3A_819 = vector.shape_cast %swap3A_818 : vector<1x16xf32> to vector<16xf32>
        %swap3A_820 = vector.shape_cast %add3A_814 : vector<16xf32> to vector<1x16xf32>
        tpu.vector_store %arg24[%swap3A_816, %swap3A_817], %swap3A_820 {strides = array<i32>} : memref<16x1024xf32, #tpu.memory_space<vmem>>, vector<1x16xf32>,
        %get3A_821 = arith.constant 14 : i32
        %get3A_822 = arith.index_cast %get3A_821 : i32 to index
        %get3A_823 = arith.index_cast %multiple_of3A_219 : i32 to index
        %get3A_824 = tpu.vector_load %arg22[%get3A_822, %get3A_823] {strides = array<i32>} : memref<16x1024xf32, #tpu.memory_space<vmem>>, vector<1x16xf32>,
        %get3A_825 = vector.shape_cast %get3A_824 : vector<1x16xf32> to vector<16xf32>
        %get3A_826 = arith.constant 14 : i32
        %get3A_827 = arith.index_cast %get3A_826 : i32 to index
        %get3A_828 = arith.index_cast %multiple_of3A_219 : i32 to index
        %get3A_829 = tpu.vector_load %arg23[%get3A_827, %get3A_828] {strides = array<i32>} : memref<16x1024xf32, #tpu.memory_space<vmem>>, vector<1x16xf32>,
        %get3A_830 = vector.shape_cast %get3A_829 : vector<1x16xf32> to vector<16xf32>
        %add3A_831 = arith.addf %get3A_825, %get3A_830 : vector<16xf32>
        %get3A_832 = arith.constant 14 : i32
        %get3A_833 = arith.index_cast %get3A_832 : i32 to index
        %get3A_834 = arith.index_cast %multiple_of3A_219 : i32 to index
        %get3A_835 = tpu.vector_load %arg20[%get3A_833, %get3A_834] {strides = array<i32>} : memref<16x1024xf32, #tpu.memory_space<vmem>>, vector<1x16xf32>,
        %get3A_836 = vector.shape_cast %get3A_835 : vector<1x16xf32> to vector<16xf32>
        %get3A_837 = arith.index_cast %squeeze3A_171 : i32 to index
        %get3A_838 = arith.index_cast %multiple_of3A_219 : i32 to index
        %get3A_839 = tpu.vector_load %arg13[%get3A_837, %get3A_838] {strides = array<i32>} : memref<16x1024xf32, #tpu.memory_space<vmem>>, vector<1x16xf32>,
        %get3A_840 = vector.shape_cast %get3A_839 : vector<1x16xf32> to vector<16xf32>
        %add3A_841 = arith.addf %get3A_836, %get3A_840 : vector<16xf32>
        %mul3A_842 = vector.broadcast %squeeze3A_107 : f32 to vector<16xf32>
        %mul3A_843 = arith.mulf %mul3A_842, %add3A_841 : vector<16xf32>
        %add3A_844 = arith.addf %add3A_831, %mul3A_843 : vector<16xf32>
        %get3A_845 = arith.constant 14 : i32
        %get3A_846 = arith.index_cast %get3A_845 : i32 to index
        %get3A_847 = arith.index_cast %multiple_of3A_219 : i32 to index
        %get3A_848 = tpu.vector_load %arg21[%get3A_846, %get3A_847] {strides = array<i32>} : memref<16x1024xf32, #tpu.memory_space<vmem>>, vector<1x16xf32>,
        %get3A_849 = vector.shape_cast %get3A_848 : vector<1x16xf32> to vector<16xf32>
        %get3A_850 = arith.index_cast %squeeze3A_203 : i32 to index
        %get3A_851 = arith.index_cast %multiple_of3A_219 : i32 to index
        %get3A_852 = tpu.vector_load %arg13[%get3A_850, %get3A_851] {strides = array<i32>} : memref<16x1024xf32, #tpu.memory_space<vmem>>, vector<1x16xf32>,
        %get3A_853 = vector.shape_cast %get3A_852 : vector<1x16xf32> to vector<16xf32>
        %add3A_854 = arith.addf %get3A_849, %get3A_853 : vector<16xf32>
        %mul3A_855 = vector.broadcast %squeeze3A_139 : f32 to vector<16xf32>
        %mul3A_856 = arith.mulf %mul3A_855, %add3A_854 : vector<16xf32>
        %add3A_857 = arith.addf %add3A_844, %mul3A_856 : vector<16xf32>
        %swap3A_858 = arith.constant 14 : i32
        %swap3A_859 = arith.index_cast %swap3A_858 : i32 to index
        %swap3A_860 = arith.index_cast %multiple_of3A_219 : i32 to index
        %swap3A_861 = tpu.vector_load %arg24[%swap3A_859, %swap3A_860] {strides = array<i32>} : memref<16x1024xf32, #tpu.memory_space<vmem>>, vector<1x16xf32>,
        %swap3A_862 = vector.shape_cast %swap3A_861 : vector<1x16xf32> to vector<16xf32>
        %swap3A_863 = vector.shape_cast %add3A_857 : vector<16xf32> to vector<1x16xf32>
        tpu.vector_store %arg24[%swap3A_859, %swap3A_860], %swap3A_863 {strides = array<i32>} : memref<16x1024xf32, #tpu.memory_space<vmem>>, vector<1x16xf32>,
        %get3A_864 = arith.constant 15 : i32
        %get3A_865 = arith.index_cast %get3A_864 : i32 to index
        %get3A_866 = arith.index_cast %multiple_of3A_219 : i32 to index
        %get3A_867 = tpu.vector_load %arg22[%get3A_865, %get3A_866] {strides = array<i32>} : memref<16x1024xf32, #tpu.memory_space<vmem>>, vector<1x16xf32>,
        %get3A_868 = vector.shape_cast %get3A_867 : vector<1x16xf32> to vector<16xf32>
        %get3A_869 = arith.constant 15 : i32
        %get3A_870 = arith.index_cast %get3A_869 : i32 to index
        %get3A_871 = arith.index_cast %multiple_of3A_219 : i32 to index
        %get3A_872 = tpu.vector_load %arg23[%get3A_870, %get3A_871] {strides = array<i32>} : memref<16x1024xf32, #tpu.memory_space<vmem>>, vector<1x16xf32>,
        %get3A_873 = vector.shape_cast %get3A_872 : vector<1x16xf32> to vector<16xf32>
        %add3A_874 = arith.addf %get3A_868, %get3A_873 : vector<16xf32>
        %get3A_875 = arith.constant 15 : i32
        %get3A_876 = arith.index_cast %get3A_875 : i32 to index
        %get3A_877 = arith.index_cast %multiple_of3A_219 : i32 to index
        %get3A_878 = tpu.vector_load %arg20[%get3A_876, %get3A_877] {strides = array<i32>} : memref<16x1024xf32, #tpu.memory_space<vmem>>, vector<1x16xf32>,
        %get3A_879 = vector.shape_cast %get3A_878 : vector<1x16xf32> to vector<16xf32>
        %get3A_880 = arith.index_cast %squeeze3A_173 : i32 to index
        %get3A_881 = arith.index_cast %multiple_of3A_219 : i32 to index
        %get3A_882 = tpu.vector_load %arg13[%get3A_880, %get3A_881] {strides = array<i32>} : memref<16x1024xf32, #tpu.memory_space<vmem>>, vector<1x16xf32>,
        %get3A_883 = vector.shape_cast %get3A_882 : vector<1x16xf32> to vector<16xf32>
        %add3A_884 = arith.addf %get3A_879, %get3A_883 : vector<16xf32>
        %mul3A_885 = vector.broadcast %squeeze3A_109 : f32 to vector<16xf32>
        %mul3A_886 = arith.mulf %mul3A_885, %add3A_884 : vector<16xf32>
        %add3A_887 = arith.addf %add3A_874, %mul3A_886 : vector<16xf32>
        %get3A_888 = arith.constant 15 : i32
        %get3A_889 = arith.index_cast %get3A_888 : i32 to index
        %get3A_890 = arith.index_cast %multiple_of3A_219 : i32 to index
        %get3A_891 = tpu.vector_load %arg21[%get3A_889, %get3A_890] {strides = array<i32>} : memref<16x1024xf32, #tpu.memory_space<vmem>>, vector<1x16xf32>,
        %get3A_892 = vector.shape_cast %get3A_891 : vector<1x16xf32> to vector<16xf32>
        %get3A_893 = arith.index_cast %squeeze3A_205 : i32 to index
        %get3A_894 = arith.index_cast %multiple_of3A_219 : i32 to index
        %get3A_895 = tpu.vector_load %arg13[%get3A_893, %get3A_894] {strides = array<i32>} : memref<16x1024xf32, #tpu.memory_space<vmem>>, vector<1x16xf32>,
        %get3A_896 = vector.shape_cast %get3A_895 : vector<1x16xf32> to vector<16xf32>
        %add3A_897 = arith.addf %get3A_892, %get3A_896 : vector<16xf32>
        %mul3A_898 = vector.broadcast %squeeze3A_141 : f32 to vector<16xf32>
        %mul3A_899 = arith.mulf %mul3A_898, %add3A_897 : vector<16xf32>
        %add3A_900 = arith.addf %add3A_887, %mul3A_899 : vector<16xf32>
        %swap3A_901 = arith.constant 15 : i32
        %swap3A_902 = arith.index_cast %swap3A_901 : i32 to index
        %swap3A_903 = arith.index_cast %multiple_of3A_219 : i32 to index
        %swap3A_904 = tpu.vector_load %arg24[%swap3A_902, %swap3A_903] {strides = array<i32>} : memref<16x1024xf32, #tpu.memory_space<vmem>>, vector<1x16xf32>,
        %swap3A_905 = vector.shape_cast %swap3A_904 : vector<1x16xf32> to vector<16xf32>
        %swap3A_906 = vector.shape_cast %add3A_900 : vector<16xf32> to vector<1x16xf32>
        tpu.vector_store %arg24[%swap3A_902, %swap3A_903], %swap3A_906 {strides = array<i32>} : memref<16x1024xf32, #tpu.memory_space<vmem>>, vector<1x16xf32>,
        %scan3A_907 = arith.constant 0 : i32
        scf.yield %scan3A_907 : i32
      }
      %scan3A_212 = arith.constant 64 : i32
      %add3A_213 = arith.addi %mul3A_2, %multiple_of3A : i32
      "tpu.region"() ({
        %run_scoped3A = tpu.sem_alloc : memref<!tpu.dma_semaphore, #tpu.memory_space<semaphore_mem>>
        %dma_start3A_215 = arith.constant 0 : i32
        %dma_start3A_216 = tpu.memref_slice %arg12[%add3A_213, %dma_start3A_215] : memref<16384x1024xf32, #tpu.memory_space<hbm>> -> memref<16x1024xf32, #tpu.memory_space<hbm>>
        %dma_start3A_217 = arith.constant 0 : i32
        %dma_start3A_218 = tpu.memref_slice %arg12[%add3A_213, %dma_start3A_217] : memref<16384x1024xf32, #tpu.memory_space<hbm>> -> memref<16x1024xf32, #tpu.memory_space<hbm>>
        tpu.enqueue_dma source(%arg24 : memref<16x1024xf32, #tpu.memory_space<vmem>>) target(%dma_start3A_218 : memref<16x1024xf32, #tpu.memory_space<hbm>>) target_semaphore(%run_scoped3A : memref<!tpu.dma_semaphore, #tpu.memory_space<semaphore_mem>>)
        %dma_wait3A_219 = arith.constant 0 : i32
        %dma_wait3A_220 = tpu.memref_slice %arg12[%add3A_213, %dma_wait3A_219] : memref<16384x1024xf32, #tpu.memory_space<hbm>> -> memref<16x1024xf32, #tpu.memory_space<hbm>>
        %dma_wait3A_221 = arith.constant 0 : i32
        %dma_wait3A_222 = tpu.memref_slice %arg12[%add3A_213, %dma_wait3A_221] : memref<16384x1024xf32, #tpu.memory_space<hbm>> -> memref<16x1024xf32, #tpu.memory_space<hbm>>
        tpu.wait_dma2 semaphore(%run_scoped3A : memref<!tpu.dma_semaphore, #tpu.memory_space<semaphore_mem>>) src(%arg24 : memref<16x1024xf32, #tpu.memory_space<vmem>>) dst(%dma_wait3A_222 : memref<16x1024xf32, #tpu.memory_space<hbm>>)
        tpu.yield
      }) : () -> ()
      %scan3A_214 = arith.constant 0 : i32
      scf.yield %scan3A_214 : i32
    }
    %scan3A_30 = arith.constant 32 : i32
    return
  }
}

</mosaic_0001>

<sc_bundles>
// kernel: _moe_finalize.3.cloned.1.call-start
scs
__scs_entry_jumppad:
0x0: {  	(pc) =	sbr.rel $0x88, $3  }
0x1: {  	(tag) =	ssettag $0x0;
	lr =	simm.s32 $0x1  }
0x2: {  	[smem:$0x3F9A] =	sst lr;
	_ =	strace $0xD0000000  }
0x3: {  	_ = 	snop  }
0x4: {  	_ = 	snop  }
0x5: {  	_ = 	snop  }
0x6: {  	_ = 	snop  }
0x7: {  	_ = 	snop  }
__scs_overlays_trampoline_lowered:
0x8: {  	[smem:$0x3FA9] =	sst s0  }
0x9: {  	[smem:$0x3FAA] =	sst s1  }
0xa: {  	[smem:$0x3FAB] =	sst s2  }
0xb: {  	[smem:$0x3FAC] =	sst s3  }
0xc: {  	[smem:$0x3FAD] =	sst s4  }
0xd: {  	[smem:$0x3FAE] =	sst s5  }
0xe: {  	[smem:$0x3FAF] =	sst s6  }
0xf: {  	[smem:$0x3FB0] =	sst s7  }
0x10: {  	[smem:$0x3FB1] =	sst s8  }
0x11: {  	[smem:$0x3FB2] =	sst s9;
	s0 =	simm.s32 @!p0 $0x0  }
0x12: {  	s1 =	sld [smem:$0x3F98];
	s0 =	simm.s32 @p0 $0x1  }
0x13: {  	[smem:$0x3FB3] =	sst s0;
	s0 =	simm.s32 @!p1 $0x0  }
0x14: {  	s2 =	sld [smem:$0x3F97];
	s0 =	simm.s32 @p1 $0x1  }
0x15: {  	[smem:$0x3FB4] =	sst s0;
	s0 =	simm.s32 @!p2 $0x0  }
0x16: {  	s3 =	sld [smem:$0x3FDB];
	s0 =	simm.s32 @p2 $0x1  }
0x17: {  	s4 =	simm.s32 $0x1BF5;
	[smem:$0x3FB6] =	sst s0  }
0x18: {  	s0 =	sld [smem:$0x3F99];
	_ =	swait.ge [sflag:s4], $0x0  }
0x19: {  	s7 =	sld [smem:$0x3F9A]  }
0x1a: {  	s8 =	sadd.s32 $0xFFFFE003, lr  }
0x1b: {  	s9 =	sadd.s32 $0xFFFFFEF7, lr;
	s5 =	simm.s32 $0xFFFFFFFF;
	p2 =	slt.u32 s8, $0xFFFFF086  }
0x1c: {  	p1 =	slt.u32 s9, $0xF7A;
	s5 =	simm.s32 @!p2 $0x0  }
0x1d: {  	s5 =	simm.s32 @p1 $0x1;
	p0 =	seq.s32 s7, s2  }
0x1e: {  	s7 =	smul.u32 @!p0 $0xF7A, s2;
	p2 =	seq.s32 @!p0 s5, $0x0  }
0x1f: {  	s9 =	smul.u32 $0xF7A, s1;
	s8 =	simm.s32 @!p0 $0x1BF5;
	p2 =	por !p2, p0  }
0x20: {  	[sflag:s8] =	ssyncset.s32 @!p0 $0xFFFFF086;
	s6 =	sadd.s32 @!p0 s3, s7;
	s7 =	simm.s32 @!p0 $0x108  }
0x21: {  	s3 =	sadd.s32 s3, s9;
	s6 =	sadd.s32 @!p0 $0x88, s6;
	s7 =	simm.s32 @p2 $0x1082  }
0x22: {  	[simem:s7], [sflag:s8] =	dma.local @!p0 [hbm:s6], $0xF7A  }
0x23: {  	s9 =	sor.u32 $0xD0000000, s2;
	s6 =	simm.s32 $0x108;
	_ =	swait.ge @!p0 [sflag:s8], $0x0  }
0x24: {  	s3 =	sadd.s32 $0x88, s3;
	s6 =	simm.s32 @!p1 $0x1082;
	[sflag:s4] =	ssyncset.s32 $0xFFFFF086  }
0x25: {  	[simem:s6], [sflag:s4] =	dma.local [hbm:s3], $0xF7A  }
0x26: {  	[smem:$0x3F9A] =	sst s1;
	(tag) =	ssettag s2;
	_ =	strace s9  }
0x27: {  	s1 =	sld [smem:$0x3FAA]  }
0x28: {  	s2 =	sld [smem:$0x3FAB]  }
0x29: {  	s4 =	sld [smem:$0x3FAD]  }
0x2a: {  	p0 =	seq.s32 s5, $0x0;
	s5 =	sld [smem:$0x3FAE]  }
0x2b: {  	s6 =	sld [smem:$0x3FAF]  }
0x2c: {  	s7 =	sld [smem:$0x3FB0]  }
0x2d: {  	s3 =	simm.s32 $0x108;
	s8 =	sld [smem:$0x3FB1]  }
0x2e: {  	s3 =	simm.s32 @!p0 $0x1082;
	s9 =	sld [smem:$0x3FB2]  }
0x2f: {  	lr =	sadd.s32 s0, s3;
	s0 =	sld [smem:$0x3FA9]  }
0x30: {  	s3 =	sld [smem:$0x3FAC]  }
0x31: {  	[smem:$0x3FB5] =	sst s10  }
0x32: {  	s10 =	sld [smem:$0x3FB3];
	_ =	sdelay $0x3  }
0x33: {  	p0 =	seq.s32 s10, $0x1;
	s10 =	sld [smem:$0x3FB5];
	_ =	sdelay $0x3  }
0x34: {  	[smem:$0x3FB5] =	sst s10  }
0x35: {  	s10 =	sld [smem:$0x3FB4];
	_ =	sdelay $0x3  }
0x36: {  	p1 =	seq.s32 s10, $0x1;
	s10 =	sld [smem:$0x3FB5];
	_ =	sdelay $0x3  }
0x37: {  	[smem:$0x3FB5] =	sst s10  }
0x38: {  	s10 =	sld [smem:$0x3FB6]  }
0x39: {  	_ = 	snop;
	(pc) =	sbr.ind lr, $3  }
0x3a: {  	_ = 	snop  }
0x3b: {  	_ = 	snop  }
0x3c: {  	p2 =	seq.s32 s10, $0x1;
	s10 =	sld [smem:$0x3FB5]  }
0x3d: {  	_ =	shalt  }
0x3e: {  	_ =	shalt  }
0x3f: {  	_ =	shalt  }
0x40: {  	_ =	shalt  }
0x41: {  	_ =	shalt  }
0x42: {  	_ =	shalt  }
0x43: {  	_ =	shalt  }
0x44: {  	_ =	shalt  }
0x45: {  	_ =	shalt  }
0x46: {  	_ =	shalt  }
0x47: {  	_ =	shalt  }
0x48: {  	_ =	shalt  }
0x49: {  	_ =	shalt  }
0x4a: {  	_ =	shalt  }
0x4b: {  	_ =	shalt  }
0x4c: {  	_ =	shalt  }
0x4d: {  	_ =	shalt  }
0x4e: {  	_ =	shalt  }
0x4f: {  	_ =	shalt  }
0x50: {  	_ =	shalt  }
0x51: {  	_ =	shalt  }
0x52: {  	_ =	shalt  }
0x53: {  	_ =	shalt  }
0x54: {  	_ =	shalt  }
0x55: {  	_ =	shalt  }
0x56: {  	_ =	shalt  }
0x57: {  	_ =	shalt  }
0x58: {  	_ =	shalt  }
0x59: {  	_ =	shalt  }
0x5a: {  	_ =	shalt  }
0x5b: {  	_ =	shalt  }
0x5c: {  	_ =	shalt  }
0x5d: {  	_ =	shalt  }
0x5e: {  	_ =	shalt  }
0x5f: {  	_ =	shalt  }
0x60: {  	_ =	shalt  }
0x61: {  	_ =	shalt  }
0x62: {  	_ =	shalt  }
0x63: {  	_ =	shalt  }
0x64: {  	_ =	shalt  }
0x65: {  	_ =	shalt  }
0x66: {  	_ =	shalt  }
0x67: {  	_ =	shalt  }
0x68: {  	_ =	shalt  }
0x69: {  	_ =	shalt  }
0x6a: {  	_ =	shalt  }
0x6b: {  	_ =	shalt  }
0x6c: {  	_ =	shalt  }
0x6d: {  	_ =	shalt  }
0x6e: {  	_ =	shalt  }
0x6f: {  	_ =	shalt  }
0x70: {  	_ =	shalt  }
0x71: {  	_ =	shalt  }
0x72: {  	_ =	shalt  }
0x73: {  	_ =	shalt  }
0x74: {  	_ =	shalt  }
0x75: {  	_ =	shalt  }
0x76: {  	_ =	shalt  }
0x77: {  	_ =	shalt  }
0x78: {  	_ =	shalt  }
0x79: {  	_ =	shalt  }
0x7a: {  	_ =	shalt  }
0x7b: {  	_ =	shalt  }
0x7c: {  	_ =	shalt  }
0x7d: {  	_ =	shalt  }
0x7e: {  	_ =	shalt  }
0x7f: {  	_ =	shalt  }
0x80: {  	_ =	shalt  }
0x81: {  	_ =	shalt  }
0x82: {  	_ =	shalt  }
0x83: {  	_ =	shalt  }
0x84: {  	_ =	shalt  }
0x85: {  	_ =	shalt  }
0x86: {  	_ =	shalt  }
0x87: {  	_ =	shalt  }
.Lfunc_end0:
.L_simem_size_0:
called_computation_lowered:
.L_overlay_start_0:
0x88: {  	s2 =	sld [smem:$0x3FD9]  }
0x89: {  	s3 =	sld [smem:$0x3FFE];
	_ =	sdelay $0x1  }
0x8a: {  	s1 =	srdreg.scid  }
0x8b: {  	s0 =	sand.u32 $0x1, s1  }
0x8c: {  	s17 =	sshll.u32 s0, $0xA;
	s2 =	sadd.s32 s3, s2  }
0x8d: {  	s2 =	sadd.s32 s2, s17  }
0x8e: {  	[smem:$0x3FC1] =	sst s2  }
0x8f: {  	_ = 	snop  }
0x90: {  	s2 =	sld [smem:$0x3FC9]  }
0x91: {  	s18 =	sld [smem:$0x3FC7]  }
0x92: {  	s4 =	sld [smem:$0x3FC6]  }
0x93: {  	s5 =	sld [smem:$0x3FC5]  }
0x94: {  	s6 =	sld [smem:$0x3FD0];
	(tm) =	ssettm $0x1  }
0x95: {  	s7 =	sld [smem:$0x3FFB];
	_ =	sdelay $0x3  }
0x96: {  	_ =	strace s7  }
0x97: {  	s7 =	sld [smem:$0x3FFC];
	_ =	sdelay $0x3  }
0x98: {  	_ =	strace s7  }
0x99: {  	s7 =	sld [smem:$0x3FFD];
	_ =	sdelay $0x3  }
0x9a: {  	_ =	strace s7  }
0x9b: {  	_ =	strace $0x8FFFFFFF  }
0x9c: {  	s19 =	sld [smem:$0x3FDB];
	_ =	sdelay $0x1  }
0x9d: {  	s8 =	simm.s32 $_scs_section_size  }
0x9e: {  	s9 =	simm.s32 $_size__tile_overlayer_lowered;
	s10 =	simm.s32 $_tile_overlayer_lowered  }
0x9f: {  	s22 =	simm.s32 $0x1BFF;
	s21 =	sshll.u32 s10, $0x1;
	s7 =	sadd.s32 s8, s19  }
0xa0: {  	s11 =	simm.s32 $0x0;
	s20 =	sshll.u32 s9, $0x1;
	s9 =	sadd.s32 s21, s7  }
0xa1: {  	[timem:s11], [sflag:s22] =	dma.local [hbm:s9], s20  }
0xa2: {  	_ =	swait.ge [sflag:s22], s20  }
0xa3: {  	s8 =	ssub.s32 $0x0, s20;
	[sflag:s22] =	ssyncset.done $0x0  }
0xa4: {  	[sflag:s22] =	ssyncadd.s32 s8;
	_ =	sdelay $0x1  }
0xa5: {  	s23 =	simm.s32 $0x1B8B  }
0xa6: {  	_ =	swait.ge [sflag:s23], $0x1  }
0xa7: {  	[sflag:s23] =	ssyncset.done $0x0  }
0xa8: {  	s25 =	simm.s32 $0x1B8E;
	s24 =	sld [smem:$0x3FFE];
	[sflag:s23] =	ssyncadd.s32 $0xFFFFFFFF  }
0xa9: {  	s26 =	simm.s32 $execute0_lowered;
	[smem:$0x3FD2] =	sst s25  }
0xaa: {  	s9 =	sshll.u32 s26, $0x1;
	_ =	strace $0x80000046;
	[dreg:$0x1] =	wrdreg $0xFFFFFFFF  }
0xab: {  	s28 =	simm.s32 $_size_execute0_lowered;
	s7 =	sadd.s32 s7, s9;
	[dreg:$0x0] =	wrdreg $0x0  }
0xac: {  	s9 =	sshll.u32 s28, $0x1;
	[dreg:$0x2] =	wrdreg s7  }
0xad: {  	[dreg:$0x3] =	wrdreg s9  }
0xae: {  	[dreg:$0x4] =	wrdreg $0xC0  }
0xaf: {  	_ =	task [dreg:s11], $0x5FFFF  }
0xb0: {  	[dreg:$0x1] =	wrdreg $0xFFFFFFFF  }
0xb1: {  	[dreg:$0x0] =	wrdreg $0x60  }
0xb2: {  	[dreg:$0x2] =	wrdreg s2  }
0xb3: {  	[dreg:$0x3] =	wrdreg s24  }
0xb4: {  	[dreg:$0x4] =	wrdreg s18  }
0xb5: {  	[dreg:$0x5] =	wrdreg s4  }
0xb6: {  	[dreg:$0x6] =	wrdreg s5  }
0xb7: {  	[dreg:$0x7] =	wrdreg s6  }
0xb8: {  	[dreg:$0x8] =	wrdreg $0x9  }
0xb9: {  	_ =	task.clear_ibuf [dreg:s11], $0x9FFFF;
	_ =	strace $0x90000046  }
0xba: {  	s29 =	simm.s32 $0x9;
	_ =	strace $0x80000048  }
0xbb: {  	_ =	swait.ge [sflag:s29], $0x1  }
0xbc: {  	[sflag:s29] =	ssyncadd.s32 $0xFFFFFFFF  }
0xbd: {  	_ =	strace $0x90000048  }
0xbe: {  	_ =	sfence  }
0xbf: {  	s30 =	sld [smem:$0x0];
	_ =	sdelay $0x2  }
0xc0: {  	s31 =	sshll.u32 s1, $0xD;
	s1 =	sshrl.u32 s1, $0x2  }
0xc1: {  	s3 =	sand.u32 $0x4000, s31;
	s1 =	sadd.s32 s1, s30  }
0xc2: {  	s0 =	sor.u32 s3, s0;
	s1 =	sshll.u32 s1, $0x11  }
0xc3: {  	s0 =	sor.u32 s1, s0  }
0xc4: {  	s0 =	sadd.s32 $0x8F2B, s0  }
0xc5: {  	[sflag:s0] =	ssyncadd.remote.s32 $0x1  }
0xc6: {  	_ =	sfence.sel $0xFFFF  }
0xc7: {  	[dreg:$0x0] =	wrdreg $0xFFFFFFFF;
	(pc) =	sbr.abs _section_cstart, $3  }
0xc8: {  	[dreg:$0x1] =	wrdreg $0xFFFFFFFF  }
0xc9: {  	_ =	task.clear_ibuf [dreg:s11], $0x2FFFF;
	_ =	strace $0x9FFFFFFF  }
0xca: {  	(tm) =	ssettm $0x7FFFFFFF  }
0xcb: {  	_ =	shalt  }
tec
execute0_lowered:
.L_overlay_start_1:
0x0: {  	(tag) =	ssettag $0x1  }
0x1: {  	s2 =	srdreg.scid  }
0x2: {  	s0 =	rddreg [dreg:$0x0];
	s3 =	stileid.u32;
	s2 =	sand.u32 $0x1, s2  }
0x3: {  	s3 =	sshll.u32 s3, $0xA;
	s4 =	sshll.u32 s2, $0x9;
	s2 =	ssub.s32 $0x2, s2  }
0x4: {  	s1 =	rddreg [dreg:$0x1];
	s8 =	sor.u32 s4, s3;
	s25 =	sshrl.u32 s2, $0x1  }
0x5: {  	s7 =	simm.s32 $0x0;
	s3 =	sshrl.u32 s8, $0x3;
	s2 =	ssub.s32 s2, s25  }
0x6: {  	[smem:$0x7FF] =	sst s7;
	s1 =	sadd.s32 s3, s1;
	s31 =	smax.u32 s2, $0x1  }
0x7: {  	_ =	strace $0x80000047;
	s3 =	sadd.s32 $0x1200, s1;
	[smem:$0x7FD] =	sst s31  }
0x8: {  	s13 =	simm.s32 $0x1;
	s26 =	sadd.s32 $0xA00, s1;
	[smem:$0x7F7] =	sst s3  }
0x9: {  	s14 =	simm.s32 $0x14C00;
	s28 =	sadd.s32 $0x2200, s1;
	[smem:$0x7F8] =	sst s26  }
0xa: {  	s18 =	simm.s32 $0x3;
	s29 =	sadd.s32 $0x1A00, s1;
	[smem:$0x7F9] =	sst s28  }
0xb: {  	v2 =	vlaneseq.u32;
	s15 =	sadd.s32 $0x100, s0;
	s30 =	sadd.s32 $0x3200, s1;
	[smem:$0x7FA] =	sst s29  }
0xc: {  	vm0 =	vmmov $0xffff;
	s16 =	sadd.s32 $0x200, s0;
	v1 =	vshrl.u32 v2, $0x3;
	s1 =	sadd.s32 $0x2A00, s1;
	[smem:$0x7FB] =	sst s30  }
0xd: {  	s17 =	sadd.s32 $0x300, s0;
	v0 =	vand.u32 $0x7, v2;
	v2 =	vor.u32 $0x8, v2;
	v1 =	vmul.u32 $0x8, v1;
	s2 =	simm.s32 $0x0;
	[smem:$0x7FC] =	sst s1  }
.LBB2_1:
0xe: {  	s1 =	sld [smem:$0x7F7];
	_ =	sdelay $0x1  }
0xf: {  	s12 =	simm.s32 $0x4000;
	s19 =	sld [smem:$0x7F8]  }
0x10: {  	[tilespmem:s12], [sflag:$0x2] =	stream.linear.gather [hbm4b:s1+s7], $0x200, $0x38;
	[tilespmem:$0x18C00] =	vst v63  }
0x11: {  	s20 =	simm.s32 $0x4200;
	s21 =	sld [smem:$0x7F9]  }
0x12: {  	[tilespmem:s20], [sflag:$0x2] =	stream.linear.gather [hbm4b:s19+s7], $0x200, $0x38;
	[tilespmem:$0x18C00] =	vst v63  }
0x13: {  	s22 =	simm.s32 $0x4400;
	s23 =	sld [smem:$0x7FA]  }
0x14: {  	[tilespmem:s22], [sflag:$0x2] =	stream.linear.gather [hbm4b:s21+s7], $0x200, $0x38;
	[tilespmem:$0x18C00] =	vst v63  }
0x15: {  	s24 =	simm.s32 $0x4600;
	s25 =	sld [smem:$0x7FB]  }
0x16: {  	[tilespmem:s24], [sflag:$0x2] =	stream.linear.gather [hbm4b:s23+s7], $0x200, $0x38;
	[tilespmem:$0x18C00] =	vst v63  }
0x17: {  	s26 =	simm.s32 $0x4800;
	s28 =	sld [smem:$0x7FC]  }
0x18: {  	[tilespmem:s26], [sflag:$0x2] =	stream.linear.gather [hbm4b:s25+s7], $0x200, $0x38;
	[tilespmem:$0x18C00] =	vst v63  }
0x19: {  	[smem:$0x7F6] =	sst s2;
	s29 =	simm.s32 $0x4A00  }
0x1a: {  	[tilespmem:s29], [sflag:$0x2] =	stream.linear.gather [hbm4b:s28+s7], $0x200, $0x38;
	[tilespmem:$0x18C00] =	vst v63  }
0x1b: {  	s30 =	rddreg [dreg:$0x4];
	s31 =	simm.s32 $0x2  }
0x1c: {  	[tilespmem:s7], [sflag:$0x2] =	stream.linear.gather [hbm4b:s30+s7], $0x4000, $0x38;
	[tilespmem:$0x18C00] =	vst v63  }
0x1d: {  	_ =	swait.ge [sflag:s31], $0x200  }
0x1e: {  	[sflag:s31] =	ssyncset.done $0x0  }
0x1f: {  	[sflag:s31] =	ssyncadd.s32 $0xFFFFFE00  }
0x20: {  	_ =	swait.ge [sflag:s31], $0x200  }
0x21: {  	[sflag:s31] =	ssyncset.done $0x0  }
0x22: {  	[sflag:s31] =	ssyncadd.s32 $0xFFFFFE00  }
0x23: {  	_ =	swait.ge [sflag:s31], $0x200  }
0x24: {  	[sflag:s31] =	ssyncset.done $0x0  }
0x25: {  	[sflag:s31] =	ssyncadd.s32 $0xFFFFFE00  }
0x26: {  	_ =	swait.ge [sflag:s31], $0x200  }
0x27: {  	[sflag:s31] =	ssyncset.done $0x0  }
0x28: {  	[sflag:s31] =	ssyncadd.s32 $0xFFFFFE00  }
0x29: {  	_ =	swait.ge [sflag:s31], $0x200  }
0x2a: {  	[sflag:s31] =	ssyncset.done $0x0  }
0x2b: {  	[sflag:s31] =	ssyncadd.s32 $0xFFFFFE00  }
0x2c: {  	_ =	swait.ge [sflag:s31], $0x200  }
0x2d: {  	[sflag:s31] =	ssyncset.done $0x0  }
0x2e: {  	[sflag:s31] =	ssyncadd.s32 $0xFFFFFE00  }
0x2f: {  	_ =	swait.ge [sflag:s31], $0x4000  }
0x30: {  	[sflag:s31] =	ssyncset.done $0x0  }
0x31: {  	s25 =	simm.s32 $0x0;
	[sflag:s31] =	ssyncadd.s32 $0xFFFFC000  }
.LBB2_2:
0x32: {  	s6 =	sshll.u32 s25, $0x4  }
0x33: {  	v3 =	vld [tilespmem:s6+$0x4000];
	_ =	sdelay $0x4  }
0x34: {  	v4 =	vshll.u32 v3, $0x3  }
0x35: {  	v3 =	vand.u32 $0x7, v3;
	v4 =	vand.u32 $0xFFFFFFC0, v4  }
0x36: {  	v3 =	vor.u32 v3, v4  }
0x37: {  	v4 =	vperm.xlane v3, v0;
	_ =	sdelay $0x1  }
0x38: {  	v4 =	vadd.s32 v1, v4;
	_ =	sdelay $0x3  }
0x39: {  	s1 =	simm.s32 $0x0;
	s2 =	simm.s32 $0x4C00  }
0x3a: {  	[tilespmem:s2], [sflag:$0x1] =	stream.indirect_vreg.gather [hbm4b:s0+s1], $0x80, v4, vm0, $0xb8;
	[tilespmem:$0x18C00] =	vst v63  }
0x3b: {  	s23 =	simm.s32 $0x5400;
	v3 =	vperm.xlane v3, v2  }
0x3c: {  	[tilespmem:s23], [sflag:$0x1] =	stream.indirect_vreg.gather [hbm4b:s15+s1], $0x80, v4, vm0, $0xb8;
	[tilespmem:$0x18C00] =	vst v63  }
0x3d: {  	s24 =	simm.s32 $0x5C00;
	v3 =	vadd.s32 v1, v3  }
0x3e: {  	[tilespmem:s24], [sflag:$0x1] =	stream.indirect_vreg.gather [hbm4b:s16+s1], $0x80, v4, vm0, $0xb8;
	[tilespmem:$0x18C00] =	vst v63  }
0x3f: {  	s26 =	simm.s32 $0x6400  }
0x40: {  	[tilespmem:s26], [sflag:$0x1] =	stream.indirect_vreg.gather [hbm4b:s17+s1], $0x80, v4, vm0, $0xb8;
	[tilespmem:$0x18C00] =	vst v63  }
0x41: {  	s28 =	simm.s32 $0x6C00  }
0x42: {  	[tilespmem:s28], [sflag:$0x1] =	stream.indirect_vreg.gather [hbm4b:s0+s1], $0x80, v3, vm0, $0xb8;
	[tilespmem:$0x18C00] =	vst v63  }
0x43: {  	s29 =	simm.s32 $0x7400  }
0x44: {  	[tilespmem:s29], [sflag:$0x1] =	stream.indirect_vreg.gather [hbm4b:s15+s1], $0x80, v3, vm0, $0xb8;
	[tilespmem:$0x18C00] =	vst v63  }
0x45: {  	s30 =	simm.s32 $0x7C00  }
0x46: {  	[tilespmem:s30], [sflag:$0x1] =	stream.indirect_vreg.gather [hbm4b:s16+s1], $0x80, v3, vm0, $0xb8;
	[tilespmem:$0x18C00] =	vst v63  }
0x47: {  	s31 =	simm.s32 $0x8400  }
0x48: {  	[tilespmem:s31], [sflag:$0x1] =	stream.indirect_vreg.gather [hbm4b:s17+s1], $0x80, v3, vm0, $0xb8;
	[tilespmem:$0x18C00] =	vst v63  }
0x49: {  	v3 =	vld [tilespmem:s6+$0x4200];
	_ =	sdelay $0x4  }
0x4a: {  	v4 =	vshll.u32 v3, $0x3  }
0x4b: {  	v3 =	vand.u32 $0x7, v3;
	v4 =	vand.u32 $0xFFFFFFC0, v4  }
0x4c: {  	v3 =	vor.u32 v3, v4  }
0x4d: {  	v4 =	vperm.xlane v3, v0;
	_ =	sdelay $0x1  }
0x4e: {  	v4 =	vadd.s32 v1, v4;
	_ =	sdelay $0x3  }
0x4f: {  	s3 =	simm.s32 $0x8C00  }
0x50: {  	[tilespmem:s3], [sflag:$0x1] =	stream.indirect_vreg.gather [hbm4b:s0+s1], $0x80, v4, vm0, $0xb8;
	[tilespmem:$0x18C00] =	vst v63  }
0x51: {  	s4 =	simm.s32 $0x9400;
	v3 =	vperm.xlane v3, v2  }
0x52: {  	[tilespmem:s4], [sflag:$0x1] =	stream.indirect_vreg.gather [hbm4b:s15+s1], $0x80, v4, vm0, $0xb8;
	[tilespmem:$0x18C00] =	vst v63  }
0x53: {  	s5 =	simm.s32 $0x9C00;
	v3 =	vadd.s32 v1, v3  }
0x54: {  	[tilespmem:s5], [sflag:$0x1] =	stream.indirect_vreg.gather [hbm4b:s16+s1], $0x80, v4, vm0, $0xb8;
	[tilespmem:$0x18C00] =	vst v63  }
0x55: {  	s9 =	simm.s32 $0xA400  }
0x56: {  	[tilespmem:s9], [sflag:$0x1] =	stream.indirect_vreg.gather [hbm4b:s17+s1], $0x80, v4, vm0, $0xb8;
	[tilespmem:$0x18C00] =	vst v63  }
0x57: {  	s10 =	simm.s32 $0xAC00  }
0x58: {  	[tilespmem:s10], [sflag:$0x1] =	stream.indirect_vreg.gather [hbm4b:s0+s1], $0x80, v3, vm0, $0xb8;
	[tilespmem:$0x18C00] =	vst v63  }
0x59: {  	s11 =	simm.s32 $0xB400  }
0x5a: {  	[tilespmem:s11], [sflag:$0x1] =	stream.indirect_vreg.gather [hbm4b:s15+s1], $0x80, v3, vm0, $0xb8;
	[tilespmem:$0x18C00] =	vst v63  }
0x5b: {  	s12 =	simm.s32 $0xBC00;
	s20 =	sor.u32 s8, s6  }
0x5c: {  	[tilespmem:s12], [sflag:$0x1] =	stream.indirect_vreg.gather [hbm4b:s16+s1], $0x80, v3, vm0, $0xb8;
	[tilespmem:$0x18C00] =	vst v63  }
0x5d: {  	s19 =	simm.s32 $0xC400;
	s21 =	rddreg [dreg:$0x2];
	s4 =	sshll.u32 s20, $0x7  }
0x5e: {  	[tilespmem:s19], [sflag:$0x1] =	stream.indirect_vreg.gather [hbm4b:s17+s1], $0x80, v3, vm0, $0xb8;
	[tilespmem:$0x18C00] =	vst v63  }
0x5f: {  	s22 =	rddreg [dreg:$0x3];
	s3 =	simm.s32 $0xCC00;
	s2 =	sadd.s32 s21, s4  }
0x60: {  	[tilespmem:s3], [sflag:$0x1] =	stream.linear.gather [hbm4b:s2+s1], $0x4000, $0x38;
	[tilespmem:$0x18C00] =	vst v63  }
0x61: {  	s23 =	simm.s32 $0x10C00;
	s2 =	sadd.s32 s22, s4  }
0x62: {  	[tilespmem:s23], [sflag:$0x1] =	stream.linear.gather [hbm4b:s2+s1], $0x4000, $0x38;
	[tilespmem:$0x18C00] =	vst v63  }
0x63: {  	_ =	swait.ge [sflag:s13], $0x4000  }
0x64: {  	[sflag:s13] =	ssyncset.done $0x0  }
0x65: {  	[sflag:s13] =	ssyncadd.s32 $0xFFFFC000  }
0x66: {  	_ =	swait.ge [sflag:s13], $0x4000  }
0x67: {  	[sflag:s13] =	ssyncset.done $0x0  }
0x68: {  	[sflag:s13] =	ssyncadd.s32 $0xFFFFC000  }
0x69: {  	_ =	swait.ge [sflag:s13], $0x4000  }
0x6a: {  	[sflag:s13] =	ssyncset.done $0x0  }
0x6b: {  	[sflag:s13] =	ssyncadd.s32 $0xFFFFC000  }
0x6c: {  	_ =	swait.ge [sflag:s13], $0x4000  }
0x6d: {  	[sflag:s13] =	ssyncset.done $0x0  }
0x6e: {  	[sflag:s13] =	ssyncadd.s32 $0xFFFFC000  }
0x6f: {  	v4 =	vld [tilespmem:s6+$0x4800];
	_ =	sdelay $0x4  }
0x70: {  	(v2sf) =	vpush v4, $0x0  }
0x71: {  	(v2sf) =	vpush v4, $0x1  }
0x72: {  	(v2sf) =	vpush v4, $0x2  }
0x73: {  	(v2sf) =	vpush v4, $0x3  }
0x74: {  	(v2sf) =	vpush v4, $0x4  }
0x75: {  	(v2sf) =	vpush v4, $0x5  }
0x76: {  	(v2sf) =	vpush v4, $0x6  }
0x77: {  	(v2sf) =	vpush v4, $0x7  }
0x78: {  	(v2sf) =	vpush v4, $0x8  }
0x79: {  	(v2sf) =	vpush v4, $0x9  }
0x7a: {  	(v2sf) =	vpush v4, $0xA  }
0x7b: {  	v3 =	vld [tilespmem:s6+$0x4A00];
	(v2sf) =	vpush v4, $0xB  }
0x7c: {  	(v2sf) =	vpush v4, $0xC  }
0x7d: {  	(v2sf) =	vpush v4, $0xD  }
0x7e: {  	(v2sf) =	vpush v4, $0xE  }
0x7f: {  	s23 =	spop (v2sf);
	(v2sf) =	vpush v4, $0xF  }
0x80: {  	s24 =	spop (v2sf);
	(v2sf) =	vpush v3, $0x0  }
0x81: {  	s9 =	spop (v2sf)  }
0x82: {  	s10 =	spop (v2sf)  }
0x83: {  	(v2sf) =	vpush v3, $0x1;
	s22 =	spop (v2sf)  }
0x84: {  	s21 =	spop (v2sf)  }
0x85: {  	s20 =	spop (v2sf)  }
0x86: {  	s19 =	spop (v2sf)  }
0x87: {  	s5 =	spop (v2sf)  }
0x88: {  	(v2sf) =	vpush v3, $0x2;
	s3 =	spop (v2sf)  }
0x89: {  	s2 =	spop (v2sf)  }
0x8a: {  	s31 =	spop (v2sf)  }
0x8b: {  	s30 =	spop (v2sf)  }
0x8c: {  	(v2sf) =	vpush v3, $0x3;
	s29 =	spop (v2sf)  }
0x8d: {  	s28 =	spop (v2sf)  }
0x8e: {  	s11 =	sshll.u32 s23, $0xA;
	s23 =	sshll.u32 s23, $0x7;
	s26 =	spop (v2sf)  }
0x8f: {  	s11 =	sand.u32 $0xFFFFE000, s11;
	s23 =	sand.u32 $0x380, s23;
	s12 =	spop (v2sf)  }
0x90: {  	s11 =	sor.u32 s23, s11;
	s23 =	sshll.u32 s12, $0xA;
	s12 =	sshll.u32 s12, $0x7  }
0x91: {  	[dreg:$0x7] =	wrdreg s11;
	s11 =	sand.u32 $0xFFFFE000, s23;
	s12 =	sand.u32 $0x380, s12  }
0x92: {  	(v2sf) =	vpush v3, $0x4;
	s23 =	spop (v2sf);
	s11 =	sor.u32 s12, s11  }
0x93: {  	s12 =	sshll.u32 s24, $0xA;
	s24 =	sshll.u32 s24, $0x7;
	[dreg:$0x8] =	wrdreg s11  }
0x94: {  	s11 =	sand.u32 $0xFFFFE000, s12;
	s12 =	sand.u32 $0x380, s24;
	s24 =	sshll.u32 s23, $0xA  }
0x95: {  	(v2sf) =	vpush v3, $0x5;
	s23 =	sshll.u32 s23, $0x7;
	s11 =	sor.u32 s12, s11;
	s24 =	sand.u32 $0xFFFFE000, s24  }
0x96: {  	s23 =	sand.u32 $0x380, s23;
	s12 =	sshll.u32 s9, $0xA;
	s9 =	sshll.u32 s9, $0x7  }
0x97: {  	[dreg:$0x9] =	wrdreg s11;
	s24 =	sor.u32 s23, s24;
	s23 =	spop (v2sf)  }
0x98: {  	(v2sf) =	vpush v3, $0x6;
	s11 =	sand.u32 $0xFFFFE000, s12;
	s9 =	sand.u32 $0x380, s9;
	[dreg:$0xa] =	wrdreg s24  }
0x99: {  	s9 =	sor.u32 s9, s11;
	s24 =	sshll.u32 s23, $0xA;
	s12 =	sshll.u32 s23, $0x7  }
0x9a: {  	[dreg:$0xb] =	wrdreg s9;
	s11 =	sand.u32 $0xFFFFE000, s24;
	s23 =	sand.u32 $0x380, s12  }
0x9b: {  	s12 =	spop (v2sf);
	s24 =	sshll.u32 s10, $0xA;
	s10 =	sshll.u32 s10, $0x7  }
0x9c: {  	s9 =	sor.u32 s23, s11;
	s23 =	sand.u32 $0xFFFFE000, s24;
	s10 =	sand.u32 $0x380, s10  }
0x9d: {  	s24 =	sshll.u32 s12, $0xA;
	s12 =	sshll.u32 s12, $0x7;
	[dreg:$0xc] =	wrdreg s9  }
0x9e: {  	(v2sf) =	vpush v3, $0x7;
	s9 =	sor.u32 s10, s23;
	s11 =	sand.u32 $0xFFFFE000, s24;
	s23 =	sand.u32 $0x380, s12  }
0x9f: {  	s10 =	sshll.u32 s22, $0xA;
	s24 =	sor.u32 s23, s11;
	s11 =	sshll.u32 s22, $0x7  }
0xa0: {  	[dreg:$0xd] =	wrdreg s9;
	s9 =	sand.u32 $0xFFFFE000, s10;
	s10 =	sand.u32 $0x380, s11  }
0xa1: {  	[dreg:$0xe] =	wrdreg s24;
	s9 =	sor.u32 s10, s9;
	s12 =	spop (v2sf)  }
0xa2: {  	[dreg:$0xf] =	wrdreg s9;
	s22 =	sshll.u32 s12, $0xA;
	s11 =	sshll.u32 s12, $0x7  }
0xa3: {  	s12 =	sshll.u32 s21, $0xA;
	s23 =	sand.u32 $0xFFFFE000, s22;
	s24 =	sand.u32 $0x380, s11  }
0xa4: {  	s11 =	spop (v2sf);
	s22 =	sand.u32 $0xFFFFE000, s12;
	s9 =	sor.u32 s24, s23  }
0xa5: {  	(v2sf) =	vpush v3, $0x8;
	s23 =	sshll.u32 s21, $0x7;
	s24 =	sshll.u32 s11, $0xA;
	s11 =	sshll.u32 s11, $0x7  }
0xa6: {  	[dreg:$0x10] =	wrdreg s9;
	s10 =	sand.u32 $0x380, s23;
	s12 =	sand.u32 $0xFFFFE000, s24  }
0xa7: {  	(v2sf) =	vpush v3, $0x9;
	s11 =	sand.u32 $0x380, s11;
	s23 =	sshll.u32 s20, $0x7;
	s24 =	spop (v2sf)  }
0xa8: {  	s9 =	sor.u32 s10, s22;
	s21 =	sor.u32 s11, s12;
	s22 =	sshll.u32 s20, $0xA  }
0xa9: {  	s10 =	sand.u32 $0x380, s23;
	s12 =	sshll.u32 s24, $0xA;
	[dreg:$0x11] =	wrdreg s9  }
0xaa: {  	s11 =	sshll.u32 s24, $0x7;
	s23 =	sshll.u32 s19, $0xA;
	[dreg:$0x12] =	wrdreg s21  }
0xab: {  	(v2sf) =	vpush v3, $0xA;
	s9 =	sand.u32 $0xFFFFE000, s22;
	s20 =	sand.u32 $0xFFFFE000, s12;
	s21 =	sand.u32 $0x380, s11  }
0xac: {  	s24 =	sand.u32 $0xFFFFE000, s23;
	s12 =	sshll.u32 s19, $0x7;
	s9 =	sor.u32 s10, s9  }
0xad: {  	s22 =	spop (v2sf);
	s10 =	sand.u32 $0x380, s12;
	[dreg:$0x13] =	wrdreg s9  }
0xae: {  	s9 =	sor.u32 s21, s20;
	s19 =	sshll.u32 s22, $0xA;
	s11 =	sshll.u32 s22, $0x7  }
0xaf: {  	s22 =	sshll.u32 s5, $0xA;
	s5 =	sshll.u32 s5, $0x7;
	[dreg:$0x14] =	wrdreg s9  }
0xb0: {  	s9 =	sor.u32 s10, s24;
	s20 =	sand.u32 $0xFFFFE000, s19;
	s11 =	sand.u32 $0x380, s11  }
0xb1: {  	(v2sf) =	vpush v3, $0xB;
	s5 =	sand.u32 $0x380, s5;
	[dreg:$0x15] =	wrdreg s9;
	s21 =	sor.u32 s11, s20  }
0xb2: {  	s9 =	sand.u32 $0xFFFFE000, s22;
	s20 =	sshll.u32 s3, $0xA;
	s3 =	sshll.u32 s3, $0x7  }
0xb3: {  	[dreg:$0x16] =	wrdreg s21;
	s5 =	sor.u32 s5, s9;
	s21 =	sand.u32 $0xFFFFE000, s20  }
0xb4: {  	s3 =	sand.u32 $0x380, s3;
	[dreg:$0x17] =	wrdreg s5;
	s23 =	spop (v2sf)  }
0xb5: {  	s3 =	sor.u32 s3, s21;
	s24 =	sshll.u32 s23, $0xA;
	s10 =	sshll.u32 s23, $0x7  }
0xb6: {  	s11 =	sand.u32 $0xFFFFE000, s24;
	s12 =	sand.u32 $0x380, s10;
	s19 =	spop (v2sf)  }
0xb7: {  	[dreg:$0x19] =	wrdreg s3;
	(v2sf) =	vpush v3, $0xC;
	s5 =	sor.u32 s12, s11;
	s22 =	sshll.u32 s19, $0xA  }
0xb8: {  	s10 =	sshll.u32 s19, $0x7;
	[dreg:$0x18] =	wrdreg s5;
	s23 =	sand.u32 $0xFFFFE000, s22  }
0xb9: {  	(v2sf) =	vpush v3, $0xD;
	s24 =	sand.u32 $0x380, s10;
	s10 =	sshll.u32 s2, $0xA;
	s2 =	sshll.u32 s2, $0x7  }
0xba: {  	s11 =	spop (v2sf);
	s22 =	sshll.u32 s31, $0xA;
	s9 =	sor.u32 s24, s23  }
0xbb: {  	s3 =	sand.u32 $0xFFFFE000, s10;
	s2 =	sand.u32 $0x380, s2;
	s12 =	sshll.u32 s11, $0xA  }
0xbc: {  	(v2sf) =	vpush v3, $0xE;
	s5 =	sshll.u32 s11, $0x7;
	s23 =	sand.u32 $0xFFFFE000, s22;
	s24 =	sshll.u32 s31, $0x7  }
0xbd: {  	s10 =	sshll.u32 s30, $0xA;
	s11 =	sshll.u32 s30, $0x7;
	[dreg:$0x1a] =	wrdreg s9  }
0xbe: {  	s2 =	sor.u32 s2, s3;
	s19 =	sand.u32 $0xFFFFE000, s12;
	s20 =	sand.u32 $0x380, s5  }
0xbf: {  	v33 =	vld [tilespmem:s6+$0x4400];
	s30 =	sshll.u32 s29, $0x7;
	[dreg:$0x1b] =	wrdreg s2;
	s2 =	sor.u32 s20, s19  }
0xc0: {  	v34 =	vld [tilespmem:s6+$0x4600];
	s3 =	sand.u32 $0x380, s24;
	s21 =	spop (v2sf);
	[dreg:$0x1c] =	wrdreg s2  }
0xc1: {  	(v2sf) =	vpush v3, $0xF;
	s31 =	sshll.u32 s21, $0xA;
	s5 =	sshll.u32 s21, $0x7;
	s2 =	sor.u32 s3, s23  }
0xc2: {  	s3 =	sand.u32 $0x380, s11;
	s23 =	sshll.u32 s29, $0xA;
	s11 =	sshll.u32 s28, $0x7  }
0xc3: {  	s6 =	sand.u32 $0xFFFFE000, s31;
	s5 =	sand.u32 $0x380, s5;
	[dreg:$0x1d] =	wrdreg s2  }
0xc4: {  	s2 =	sand.u32 $0xFFFFE000, s10;
	s24 =	sand.u32 $0xFFFFE000, s23;
	s10 =	sshll.u32 s28, $0xA  }
0xc5: {  	v5 =	vbroadcast v33, $0x1;
	v6 =	vbroadcast v34, $0x1;
	s23 =	sshll.u32 s26, $0xA;
	s28 =	sshll.u32 s26, $0x7;
	s9 =	sor.u32 s5, s6  }
0xc6: {  	v7 =	vbroadcast v33, $0x2;
	v8 =	vbroadcast v34, $0x2;
	s2 =	sor.u32 s3, s2;
	s3 =	sand.u32 $0x380, s30;
	s12 =	spop (v2sf)  }
0xc7: {  	v9 =	vbroadcast v33, $0x3;
	v10 =	vbroadcast v34, $0x3;
	[dreg:$0x1e] =	wrdreg s9;
	s19 =	sshll.u32 s12, $0xA;
	s5 =	sshll.u32 s12, $0x7  }
0xc8: {  	v11 =	vbroadcast v33, $0x4;
	v12 =	vbroadcast v34, $0x4;
	s20 =	sand.u32 $0xFFFFE000, s19;
	s21 =	sand.u32 $0x380, s5;
	s22 =	spop (v2sf)  }
0xc9: {  	v13 =	vbroadcast v33, $0x5;
	v14 =	vbroadcast v34, $0x5;
	[dreg:$0x1f] =	wrdreg s2;
	s2 =	sor.u32 s21, s20;
	s31 =	sshll.u32 s22, $0xA  }
0xca: {  	v15 =	vbroadcast v33, $0x6;
	v16 =	vbroadcast v34, $0x6;
	s5 =	sshll.u32 s22, $0x7;
	[smem:$0x7EF] =	sst s2;
	s2 =	sor.u32 s3, s24  }
0xcb: {  	v17 =	vbroadcast v33, $0x7;
	v18 =	vbroadcast v34, $0x7;
	s6 =	sand.u32 $0xFFFFE000, s31;
	s5 =	sand.u32 $0x380, s5;
	s12 =	spop (v2sf)  }
0xcc: {  	v19 =	vbroadcast v33, $0x8;
	v20 =	vbroadcast v34, $0x8;
	s3 =	sand.u32 $0x380, s11;
	s24 =	sand.u32 $0xFFFFE000, s23;
	[smem:$0x7F0] =	sst s2  }
0xcd: {  	v21 =	vbroadcast v33, $0x9;
	v22 =	vbroadcast v34, $0x9;
	s9 =	sor.u32 s5, s6;
	s2 =	sand.u32 $0xFFFFE000, s10;
	s19 =	sshll.u32 s12, $0xA  }
0xce: {  	v23 =	vbroadcast v33, $0xA;
	v24 =	vbroadcast v34, $0xA;
	s5 =	sshll.u32 s12, $0x7;
	[smem:$0x7F1] =	sst s9;
	s2 =	sor.u32 s3, s2  }
0xcf: {  	v25 =	vbroadcast v33, $0xB;
	v26 =	vbroadcast v34, $0xB;
	s20 =	sand.u32 $0xFFFFE000, s19;
	s21 =	sand.u32 $0x380, s5;
	s3 =	sand.u32 $0x380, s28  }
0xd0: {  	v27 =	vbroadcast v33, $0xC;
	v28 =	vbroadcast v34, $0xC;
	[smem:$0x7F2] =	sst s2;
	s22 =	spop (v2sf);
	s2 =	sor.u32 s21, s20  }
0xd1: {  	v29 =	vbroadcast v33, $0xD;
	v30 =	vbroadcast v34, $0xD;
	[smem:$0x7F3] =	sst s2;
	s29 =	sshll.u32 s22, $0xA;
	s5 =	sshll.u32 s22, $0x7  }
0xd2: {  	v31 =	vbroadcast v33, $0xE;
	v32 =	vbroadcast v34, $0xE;
	s2 =	sor.u32 s3, s24;
	s30 =	sand.u32 $0xFFFFE000, s29;
	s5 =	sand.u32 $0x380, s5  }
0xd3: {  	v4 =	vbroadcast v34, $0x0;
	v34 =	vbroadcast v34, $0xF;
	[smem:$0x7F4] =	sst s2;
	s31 =	sor.u32 s5, s30  }
0xd4: {  	v3 =	vbroadcast v33, $0x0;
	v33 =	vbroadcast v33, $0xF;
	s6 =	simm.s32 $0x0;
	[smem:$0x7F5] =	sst s31  }
.LBB2_3:
0xd5: {  	s26 =	sand.u32 $0x70, s6;
	s28 =	sand.u32 $0x1C00, s1  }
0xd6: {  	s29 =	sor.u32 s26, s28  }
0xd7: {  	s2 =	rddreg [dreg:$0x7];
	v35 =	vld [tilespmem:s29+$0xCC00]  }
0xd8: {  	s2 =	sadd.s32 s28, s2;
	v36 =	vld [tilespmem:s29+$0x10C00]  }
0xd9: {  	s3 =	rddreg [dreg:$0x8];
	v37 =	vld [tilespmem:s29+$0x4C00];
	s2 =	sadd.s32 s26, s2  }
0xda: {  	s20 =	sadd.s32 s28, s3;
	v38 =	vld [tilespmem:s2+$0x0]  }
0xdb: {  	v39 =	vld [tilespmem:s29+$0x8C00];
	s2 =	sadd.s32 s26, s20  }
0xdc: {  	v40 =	vld [tilespmem:s2+$0x0];
	_ =	sdelay $0x2  }
0xdd: {  	v37 =	vadd.f32 v38, v37;
	_ =	sdelay $0x1  }
0xde: {  	v35 =	vadd.f32 v36, v35;
	v45 =	vadd.f32 v40, v39;
	v44 =	vmul.f32 v37, v3;
	_ =	sdelay $0x1  }
0xdf: {  	v46 =	vmul.f32 v45, v4;
	v35 =	vadd.f32 v44, v35;
	_ =	sdelay $0x1  }
0xe0: {  	s21 =	rddreg [dreg:$0x9];
	v47 =	vld [tilespmem:s29+$0xCC80];
	v35 =	vadd.f32 v46, v35  }
0xe1: {  	v48 =	vld [tilespmem:s29+$0x10C80];
	s2 =	sadd.s32 s28, s21  }
0xe2: {  	s22 =	rddreg [dreg:$0xa];
	v49 =	vld [tilespmem:s29+$0x4C80];
	s2 =	sadd.s32 s26, s2;
	[tilespmem:s29+$0x14C00] =	vst v35  }
0xe3: {  	s23 =	sadd.s32 s28, s22;
	v50 =	vld [tilespmem:s2+$0x0]  }
0xe4: {  	v51 =	vld [tilespmem:s29+$0x8C80];
	s2 =	sadd.s32 s26, s23  }
0xe5: {  	v52 =	vld [tilespmem:s2+$0x0];
	_ =	sdelay $0x2  }
0xe6: {  	v35 =	vadd.f32 v50, v49;
	_ =	sdelay $0x1  }
0xe7: {  	v36 =	vadd.f32 v48, v47;
	v53 =	vadd.f32 v52, v51;
	v35 =	vmul.f32 v35, v5;
	_ =	sdelay $0x1  }
0xe8: {  	v54 =	vmul.f32 v53, v6;
	v35 =	vadd.f32 v35, v36;
	_ =	sdelay $0x1  }
0xe9: {  	s24 =	rddreg [dreg:$0xb];
	v55 =	vld [tilespmem:s29+$0xCD00];
	v35 =	vadd.f32 v54, v35  }
0xea: {  	v56 =	vld [tilespmem:s29+$0x10D00];
	s2 =	sadd.s32 s28, s24  }
0xeb: {  	s30 =	rddreg [dreg:$0xc];
	v57 =	vld [tilespmem:s29+$0x4D00];
	s2 =	sadd.s32 s26, s2;
	[tilespmem:s29+$0x14C80] =	vst v35  }
0xec: {  	s31 =	sadd.s32 s28, s30;
	v58 =	vld [tilespmem:s2+$0x0]  }
0xed: {  	v59 =	vld [tilespmem:s29+$0x8D00];
	s2 =	sadd.s32 s26, s31  }
0xee: {  	v60 =	vld [tilespmem:s2+$0x0];
	_ =	sdelay $0x2  }
0xef: {  	v35 =	vadd.f32 v58, v57;
	_ =	sdelay $0x1  }
0xf0: {  	v36 =	vadd.f32 v56, v55;
	v61 =	vadd.f32 v60, v59;
	v35 =	vmul.f32 v35, v7;
	_ =	sdelay $0x1  }
0xf1: {  	v62 =	vmul.f32 v61, v8;
	v35 =	vadd.f32 v35, v36;
	_ =	sdelay $0x1  }
0xf2: {  	s3 =	rddreg [dreg:$0xd];
	v63 =	vld [tilespmem:s29+$0xCD80];
	v35 =	vadd.f32 v62, v35  }
0xf3: {  	v47 =	vld [tilespmem:s29+$0x8D80];
	s2 =	sadd.s32 s28, s3  }
0xf4: {  	s5 =	rddreg [dreg:$0xe];
	v45 =	vld [tilespmem:s29+$0x4D80];
	s2 =	sadd.s32 s26, s2;
	[tilespmem:s29+$0x14D00] =	vst v35  }
0xf5: {  	s9 =	sadd.s32 s28, s5;
	v46 =	vld [tilespmem:s2+$0x0]  }
0xf6: {  	v44 =	vld [tilespmem:s29+$0x10D80];
	s2 =	sadd.s32 s26, s9  }
0xf7: {  	v48 =	vld [tilespmem:s2+$0x0];
	_ =	sdelay $0x2  }
0xf8: {  	v35 =	vadd.f32 v46, v45;
	_ =	sdelay $0x1  }
0xf9: {  	v36 =	vadd.f32 v44, v63;
	v49 =	vadd.f32 v48, v47;
	v35 =	vmul.f32 v35, v9;
	_ =	sdelay $0x1  }
0xfa: {  	v50 =	vmul.f32 v49, v10;
	v35 =	vadd.f32 v35, v36;
	_ =	sdelay $0x1  }
0xfb: {  	s10 =	rddreg [dreg:$0xf];
	v51 =	vld [tilespmem:s29+$0xCE00];
	v35 =	vadd.f32 v50, v35  }
0xfc: {  	v52 =	vld [tilespmem:s29+$0x10E00];
	s2 =	sadd.s32 s28, s10  }
0xfd: {  	s11 =	rddreg [dreg:$0x10];
	v53 =	vld [tilespmem:s29+$0x4E00];
	s2 =	sadd.s32 s26, s2;
	[tilespmem:s29+$0x14D80] =	vst v35  }
0xfe: {  	s12 =	sadd.s32 s28, s11;
	v54 =	vld [tilespmem:s2+$0x0]  }
0xff: {  	v55 =	vld [tilespmem:s29+$0x8E00];
	s2 =	sadd.s32 s26, s12  }
0x100: {  	v56 =	vld [tilespmem:s2+$0x0];
	_ =	sdelay $0x2  }
0x101: {  	v35 =	vadd.f32 v54, v53;
	_ =	sdelay $0x1  }
0x102: {  	v36 =	vadd.f32 v52, v51;
	v57 =	vadd.f32 v56, v55;
	v35 =	vmul.f32 v35, v11;
	_ =	sdelay $0x1  }
0x103: {  	v58 =	vmul.f32 v57, v12;
	v35 =	vadd.f32 v35, v36;
	_ =	sdelay $0x1  }
0x104: {  	s19 =	rddreg [dreg:$0x11];
	v59 =	vld [tilespmem:s29+$0xCE80];
	v35 =	vadd.f32 v58, v35  }
0x105: {  	v60 =	vld [tilespmem:s29+$0x10E80];
	s2 =	sadd.s32 s28, s19  }
0x106: {  	s20 =	rddreg [dreg:$0x12];
	v61 =	vld [tilespmem:s29+$0x4E80];
	s2 =	sadd.s32 s26, s2;
	[tilespmem:s29+$0x14E00] =	vst v35  }
0x107: {  	s21 =	sadd.s32 s28, s20;
	v62 =	vld [tilespmem:s2+$0x0]  }
0x108: {  	v63 =	vld [tilespmem:s29+$0x8E80];
	s2 =	sadd.s32 s26, s21  }
0x109: {  	v44 =	vld [tilespmem:s2+$0x0];
	_ =	sdelay $0x2  }
0x10a: {  	v35 =	vadd.f32 v62, v61;
	_ =	sdelay $0x1  }
0x10b: {  	v36 =	vadd.f32 v60, v59;
	v45 =	vadd.f32 v44, v63;
	v35 =	vmul.f32 v35, v13;
	_ =	sdelay $0x1  }
0x10c: {  	v46 =	vmul.f32 v45, v14;
	v35 =	vadd.f32 v35, v36;
	_ =	sdelay $0x1  }
0x10d: {  	s22 =	rddreg [dreg:$0x13];
	v47 =	vld [tilespmem:s29+$0xCF00];
	v35 =	vadd.f32 v46, v35  }
0x10e: {  	v48 =	vld [tilespmem:s29+$0x10F00];
	s2 =	sadd.s32 s28, s22  }
0x10f: {  	s23 =	rddreg [dreg:$0x14];
	v49 =	vld [tilespmem:s29+$0x4F00];
	s2 =	sadd.s32 s26, s2;
	[tilespmem:s29+$0x14E80] =	vst v35  }
0x110: {  	s24 =	sadd.s32 s28, s23;
	v50 =	vld [tilespmem:s2+$0x0]  }
0x111: {  	v51 =	vld [tilespmem:s29+$0x8F00];
	s2 =	sadd.s32 s26, s24  }
0x112: {  	v52 =	vld [tilespmem:s2+$0x0];
	_ =	sdelay $0x2  }
0x113: {  	v35 =	vadd.f32 v50, v49;
	_ =	sdelay $0x1  }
0x114: {  	v36 =	vadd.f32 v48, v47;
	v53 =	vadd.f32 v52, v51;
	v35 =	vmul.f32 v35, v15;
	_ =	sdelay $0x1  }
0x115: {  	v54 =	vmul.f32 v53, v16;
	v35 =	vadd.f32 v35, v36;
	_ =	sdelay $0x1  }
0x116: {  	s30 =	rddreg [dreg:$0x15];
	v35 =	vadd.f32 v54, v35  }
0x117: {  	s2 =	sadd.s32 s28, s30  }
0x118: {  	s30 =	sor.u32 s6, s1;
	s2 =	sadd.s32 s26, s2;
	[tilespmem:s29+$0x14F00] =	vst v35  }
0x119: {  	s31 =	sor.u32 $0x380, s30;
	v35 =	vld [tilespmem:s2+$0x0]  }
0x11a: {  	v55 =	vld [tilespmem:s31+$0xCC00]  }
0x11b: {  	s5 =	rddreg [dreg:$0x16];
	v56 =	vld [tilespmem:s31+$0x10C00]  }
0x11c: {  	v57 =	vld [tilespmem:s31+$0x4C00];
	s2 =	sadd.s32 s28, s5  }
0x11d: {  	v58 =	vld [tilespmem:s31+$0x8C00];
	s2 =	sadd.s32 s26, s2  }
0x11e: {  	v59 =	vld [tilespmem:s2+$0x0];
	_ =	sdelay $0x2  }
0x11f: {  	v35 =	vadd.f32 v35, v57;
	_ =	sdelay $0x1  }
0x120: {  	v36 =	vadd.f32 v56, v55;
	v35 =	vmul.f32 v35, v17;
	v60 =	vadd.f32 v59, v58;
	_ =	sdelay $0x1  }
0x121: {  	v35 =	vadd.f32 v35, v36;
	v61 =	vmul.f32 v60, v18;
	_ =	sdelay $0x1  }
0x122: {  	v35 =	vadd.f32 v61, v35;
	_ =	sdelay $0x1  }
0x123: {  	[tilespmem:s31+$0x14C00] =	vst v35  }
0x124: {  	s9 =	rddreg [dreg:$0x17];
	v35 =	vld [tilespmem:s29+$0xEC00]  }
0x125: {  	s2 =	sadd.s32 s28, s9;
	v62 =	vld [tilespmem:s29+$0x12C00]  }
0x126: {  	s10 =	rddreg [dreg:$0x18];
	s2 =	sadd.s32 s26, s2;
	v63 =	vld [tilespmem:s29+$0x6C00]  }
0x127: {  	s11 =	sadd.s32 s28, s10;
	v44 =	vld [tilespmem:s2+$0x0]  }
0x128: {  	v45 =	vld [tilespmem:s29+$0xAC00];
	s2 =	sadd.s32 s26, s11  }
0x129: {  	v46 =	vld [tilespmem:s2+$0x0];
	_ =	sdelay $0x2  }
0x12a: {  	v37 =	vadd.f32 v44, v63;
	_ =	sdelay $0x1  }
0x12b: {  	v35 =	vadd.f32 v62, v35;
	v48 =	vadd.f32 v46, v45;
	v47 =	vmul.f32 v37, v19;
	_ =	sdelay $0x1  }
0x12c: {  	v49 =	vmul.f32 v48, v20;
	v35 =	vadd.f32 v47, v35;
	_ =	sdelay $0x1  }
0x12d: {  	s12 =	rddreg [dreg:$0x19];
	v50 =	vld [tilespmem:s29+$0xEC80];
	v35 =	vadd.f32 v49, v35  }
0x12e: {  	v51 =	vld [tilespmem:s29+$0x12C80];
	s2 =	sadd.s32 s28, s12  }
0x12f: {  	s19 =	rddreg [dreg:$0x1a];
	v52 =	vld [tilespmem:s29+$0x6C80];
	s2 =	sadd.s32 s26, s2;
	[tilespmem:s29+$0x16C00] =	vst v35  }
0x130: {  	s20 =	sadd.s32 s28, s19;
	v53 =	vld [tilespmem:s2+$0x0]  }
0x131: {  	v54 =	vld [tilespmem:s29+$0xAC80];
	s2 =	sadd.s32 s26, s20  }
0x132: {  	v55 =	vld [tilespmem:s2+$0x0];
	_ =	sdelay $0x2  }
0x133: {  	v35 =	vadd.f32 v53, v52;
	_ =	sdelay $0x1  }
0x134: {  	v36 =	vadd.f32 v51, v50;
	v56 =	vadd.f32 v55, v54;
	v35 =	vmul.f32 v35, v21;
	_ =	sdelay $0x1  }
0x135: {  	v57 =	vmul.f32 v56, v22;
	v35 =	vadd.f32 v35, v36;
	_ =	sdelay $0x1  }
0x136: {  	s21 =	rddreg [dreg:$0x1b];
	v58 =	vld [tilespmem:s29+$0xED00];
	v35 =	vadd.f32 v57, v35  }
0x137: {  	v59 =	vld [tilespmem:s29+$0x12D00];
	s2 =	sadd.s32 s28, s21  }
0x138: {  	s22 =	rddreg [dreg:$0x1c];
	v60 =	vld [tilespmem:s29+$0x6D00];
	s2 =	sadd.s32 s26, s2;
	[tilespmem:s29+$0x16C80] =	vst v35  }
0x139: {  	s23 =	sadd.s32 s28, s22;
	v61 =	vld [tilespmem:s2+$0x0]  }
0x13a: {  	v62 =	vld [tilespmem:s29+$0xAD00];
	s2 =	sadd.s32 s26, s23  }
0x13b: {  	v63 =	vld [tilespmem:s2+$0x0];
	_ =	sdelay $0x2  }
0x13c: {  	v35 =	vadd.f32 v61, v60;
	_ =	sdelay $0x1  }
0x13d: {  	v36 =	vadd.f32 v59, v58;
	v44 =	vadd.f32 v63, v62;
	v35 =	vmul.f32 v35, v23;
	_ =	sdelay $0x1  }
0x13e: {  	v45 =	vmul.f32 v44, v24;
	v35 =	vadd.f32 v35, v36;
	_ =	sdelay $0x1  }
0x13f: {  	s24 =	rddreg [dreg:$0x1d];
	v50 =	vld [tilespmem:s29+$0xAD80];
	v35 =	vadd.f32 v45, v35  }
0x140: {  	v46 =	vld [tilespmem:s29+$0xED80];
	s2 =	sadd.s32 s28, s24  }
0x141: {  	s31 =	rddreg [dreg:$0x1e];
	v48 =	vld [tilespmem:s29+$0x6D80];
	s2 =	sadd.s32 s26, s2;
	[tilespmem:s29+$0x16D00] =	vst v35  }
0x142: {  	s5 =	sadd.s32 s28, s31;
	v49 =	vld [tilespmem:s2+$0x0]  }
0x143: {  	v47 =	vld [tilespmem:s29+$0x12D80];
	s2 =	sadd.s32 s26, s5  }
0x144: {  	v51 =	vld [tilespmem:s2+$0x0];
	_ =	sdelay $0x2  }
0x145: {  	v35 =	vadd.f32 v49, v48;
	_ =	sdelay $0x1  }
0x146: {  	v36 =	vadd.f32 v47, v46;
	v52 =	vadd.f32 v51, v50;
	v35 =	vmul.f32 v35, v25;
	_ =	sdelay $0x1  }
0x147: {  	v53 =	vmul.f32 v52, v26;
	v35 =	vadd.f32 v35, v36  }
0x148: {  	s10 =	sld [smem:$0x7EF]  }
0x149: {  	s9 =	rddreg [dreg:$0x1f];
	v54 =	vld [tilespmem:s29+$0xEE00];
	v35 =	vadd.f32 v53, v35  }
0x14a: {  	v55 =	vld [tilespmem:s29+$0x12E00];
	s2 =	sadd.s32 s28, s9  }
0x14b: {  	v56 =	vld [tilespmem:s29+$0x6E00];
	s2 =	sadd.s32 s26, s2;
	[tilespmem:s29+$0x16D80] =	vst v35  }
0x14c: {  	s11 =	sadd.s32 s28, s10;
	v57 =	vld [tilespmem:s2+$0x0]  }
0x14d: {  	v58 =	vld [tilespmem:s29+$0xAE00];
	s2 =	sadd.s32 s26, s11  }
0x14e: {  	v59 =	vld [tilespmem:s2+$0x0];
	_ =	sdelay $0x2  }
0x14f: {  	v35 =	vadd.f32 v57, v56;
	_ =	sdelay $0x1  }
0x150: {  	v36 =	vadd.f32 v55, v54;
	v60 =	vadd.f32 v59, v58;
	v35 =	vmul.f32 v35, v27;
	_ =	sdelay $0x1  }
0x151: {  	s12 =	sld [smem:$0x7F0];
	v61 =	vmul.f32 v60, v28;
	v35 =	vadd.f32 v35, v36;
	_ =	sdelay $0x1  }
0x152: {  	s19 =	sld [smem:$0x7F1];
	v62 =	vld [tilespmem:s29+$0xEE80];
	v35 =	vadd.f32 v61, v35  }
0x153: {  	v63 =	vld [tilespmem:s29+$0x12E80];
	s2 =	sadd.s32 s28, s12  }
0x154: {  	v44 =	vld [tilespmem:s29+$0x6E80];
	s2 =	sadd.s32 s26, s2;
	[tilespmem:s29+$0x16E00] =	vst v35  }
0x155: {  	s20 =	sadd.s32 s28, s19;
	v45 =	vld [tilespmem:s2+$0x0]  }
0x156: {  	v46 =	vld [tilespmem:s29+$0xAE80];
	s2 =	sadd.s32 s26, s20  }
0x157: {  	v47 =	vld [tilespmem:s2+$0x0];
	_ =	sdelay $0x2  }
0x158: {  	v35 =	vadd.f32 v45, v44;
	_ =	sdelay $0x1  }
0x159: {  	v36 =	vadd.f32 v63, v62;
	v48 =	vadd.f32 v47, v46;
	v35 =	vmul.f32 v35, v29;
	_ =	sdelay $0x1  }
0x15a: {  	s21 =	sld [smem:$0x7F2];
	v49 =	vmul.f32 v48, v30;
	v35 =	vadd.f32 v35, v36;
	_ =	sdelay $0x1  }
0x15b: {  	s22 =	sld [smem:$0x7F3];
	v50 =	vld [tilespmem:s29+$0xEF00];
	v35 =	vadd.f32 v49, v35  }
0x15c: {  	v51 =	vld [tilespmem:s29+$0x12F00];
	s2 =	sadd.s32 s28, s21  }
0x15d: {  	v52 =	vld [tilespmem:s29+$0x6F00];
	s2 =	sadd.s32 s26, s2;
	[tilespmem:s29+$0x16E80] =	vst v35  }
0x15e: {  	s23 =	sadd.s32 s28, s22;
	v53 =	vld [tilespmem:s2+$0x0]  }
0x15f: {  	v54 =	vld [tilespmem:s29+$0xAF00];
	s2 =	sadd.s32 s26, s23  }
0x160: {  	v55 =	vld [tilespmem:s2+$0x0];
	_ =	sdelay $0x2  }
0x161: {  	v35 =	vadd.f32 v53, v52;
	_ =	sdelay $0x1  }
0x162: {  	v36 =	vadd.f32 v51, v50;
	v56 =	vadd.f32 v55, v54;
	v35 =	vmul.f32 v35, v31;
	_ =	sdelay $0x1  }
0x163: {  	v57 =	vmul.f32 v56, v32;
	v35 =	vadd.f32 v35, v36;
	_ =	sdelay $0x1  }
0x164: {  	v35 =	vadd.f32 v57, v35  }
0x165: {  	s24 =	sld [smem:$0x7F4]  }
0x166: {  	s30 =	sor.u32 $0x2380, s30;
	[tilespmem:s29+$0x16F00] =	vst v35  }
0x167: {  	s5 =	sld [smem:$0x7F5];
	v35 =	vld [tilespmem:s30+$0xCC00]  }
0x168: {  	s2 =	sadd.s32 s28, s24;
	v58 =	vld [tilespmem:s30+$0x10C00]  }
0x169: {  	s2 =	sadd.s32 s26, s2;
	v59 =	vld [tilespmem:s30+$0x4C00]  }
0x16a: {  	s31 =	sadd.s32 s28, s5;
	v60 =	vld [tilespmem:s2+$0x0]  }
0x16b: {  	v61 =	vld [tilespmem:s30+$0x8C00];
	s2 =	sadd.s32 s26, s31  }
0x16c: {  	v62 =	vld [tilespmem:s2+$0x0];
	_ =	sdelay $0x2  }
0x16d: {  	v37 =	vadd.f32 v60, v59;
	_ =	sdelay $0x1  }
0x16e: {  	v35 =	vadd.f32 v58, v35;
	v63 =	vadd.f32 v62, v61;
	v37 =	vmul.f32 v37, v33  }
0x16f: {  	p0 =	sne.s32 s6, $0x3F0  }
.Ltmp0:
0x170: {  	v36 =	vmul.f32 v63, v34;
	v35 =	vadd.f32 v37, v35;
	(pc) =	sbr.rel @p0 .LBB2_3-.Ltmp0, $3  }
0x171: {  	_ = 	snop  }
0x172: {  	v35 =	vadd.f32 v36, v35;
	_ =	sdelay $0x1  }
0x173: {  	s1 =	sadd.s32 $0x80, s1;
	s6 =	sadd.s32 $0x10, s6;
	[tilespmem:s30+$0x14C00] =	vst v35  }
0x174: {  	s25 =	sadd.s32 $0x1, s25  }
0x175: {  	s1 =	rddreg [dreg:$0x5];
	p0 =	sne.s32 s25, $0x20  }
.Ltmp1:
0x176: {  	s1 =	sadd.s32 s1, s4;
	(pc) =	sbr.rel @p0 .LBB2_2-.Ltmp1, $4  }
0x177: {  	[hbm4b:s1+s7] =	stream.linear.scatter [tilespmem:s14], [sflag:$0x3], $0x4000, $0x38;
	[tilespmem:$0x18C00] =	vst v63  }
0x178: {  	_ =	swait.ge [sflag:s18], $0x4000  }
0x179: {  	[sflag:s18] =	ssyncset.done $0x0  }
0x17a: {  	[sflag:s18] =	ssyncadd.s32 $0xFFFFC000  }
0x17b: {  	s2 =	sld [smem:$0x7F6]  }
0x17c: {  	s1 =	sld [smem:$0x7FD];
	_ =	sdelay $0x1  }
0x17d: {  	s2 =	sadd.s32 $0x1, s2  }
0x17e: {  	p0 =	sne.s32 s2, s1  }
.Ltmp2:
0x17f: {  	_ = 	snop;
	(pc) =	sbr.rel @p0 .LBB2_1-.Ltmp2, $1  }
0x180: {  	_ =	sdelay $0x3  }
0x181: {  	_ =	sfence.sel $0x180000  }
0x182: {  	[bflag:$0x0] =	sbarrier.arrive $0xFFFF  }
0x183: {  	_ =	strace $0x90000047  }
0x184: {  	s0 =	stileid.u32;
	[bflag:$0x2] =	sbarrier.arrive $0xFFFF  }
0x185: {  	p0 =	sne.s32 s0, $0x0;
	s0 =	rddreg [dreg:$0x6]  }
0x186: {  	s0 =	sadd.s32 @!p0 $0x100000, s0  }
0x187: {  	[sflag:s0] =	ssyncadd.tile.s32 @!p0 $0x1;
	_ =	shalt  }
.Lfunc_end2:
_tile_overlayer_lowered:
.L_overlay_start_2:
0x188: {  	(tag) =	ssettag $0x2  }
0x189: {  	s0 =	rddreg [dreg:$0x0];
	s2 =	stileid.u32  }
0x18a: {  	s1 =	rddreg [dreg:$0x1];
	p0 =	sne.s32 s2, $0x0  }
0x18b: {  	s3 =	rddreg [dreg:$0x2];
	[bflag:$0x3] =	sbarrier.arrive $0xFFFF;
	s2 =	simm.s32 @!p0 $0x1C03  }
0x18c: {  	[timem:s3], [sflag:s2] =	dma.local @!p0 [hbm:s0], s1  }
0x18d: {  	s0 =	simm.s32 @!p0 $0x3  }
0x18e: {  	_ =	swait.ge @!p0 [sflag:s0], s1  }
0x18f: {  	s1 =	ssub.s32 @!p0 $0x0, s1;
	[sflag:s0] =	ssyncset.done @!p0 $0x0  }
0x190: {  	[sflag:s0] =	ssyncadd.s32 @!p0 s1  }
0x191: {  	[bflag:$0x3] =	sbarrier.arrive $0xFFFF  }
0x192: {  	_ =	shalt  }

</sc_bundles>
